<compile_context>
chip_gen: v7x
topology: tpu7x:2x2x1
jax: 0.10.2.dev20260603
libtpu: 0.0.44.dev20260713+nightly
codegen_flags: <defaults>
</compile_context>

<pallas_src>
import functools

import jax
import jax.numpy as jnp
from jax import lax
from jax.experimental import pallas as pl
from jax.experimental.pallas import tpu as pltpu
from jax.experimental.pallas import tpu_sc as plsc

K = 16
C = 3
B_, N_ = 8, 4096
RB = 256
CHUNK = 128
NCH = N_ // CHUNK
MAXI = 0x7FFFFFFF


def _topk_body(vall_ref, vrow_ref, idx_ref):
    va = vall_ref[0]
    vb = vrow_ref[0]
    g = lax.dot_general(va, vb, (((1,), (1,)), ((), ())),
                        preferred_element_type=jnp.float32)
    sqa = jnp.sum(va * va, axis=1, keepdims=True)
    sqb = jnp.sum(vb * vb, axis=1)[None, :]
    dist = sqa - 2.0 * g + sqb
    bits = lax.bitcast_convert_type(jnp.maximum(dist, 0.0), jnp.int32)
    b3 = bits.reshape(NCH, CHUNK, RB)
    li3 = lax.broadcasted_iota(jnp.int32, (NCH, CHUNK, RB), 1)
    p = (b3 & jnp.int32(-CHUNK)) | li3
    fi = lax.broadcasted_iota(jnp.int32, (NCH, CHUNK, RB), 0) * CHUNK + li3
    ci = lax.broadcasted_iota(jnp.int32, (NCH, RB), 0)
    ti = lax.broadcasted_iota(jnp.int32, (K, RB), 0)
    sri = lax.broadcasted_iota(jnp.int32, (K, NCH, RB), 0)
    self_idx = pl.program_id(1) * RB + lax.broadcasted_iota(
        jnp.int32, (1, RB), 1)
    p = jnp.where(fi == self_idx.reshape(1, 1, RB), jnp.int32(MAXI), p)

    def it(t, carry):
        p, acc = carry
        m2 = jnp.min(p, axis=1)
        m = jnp.min(m2, axis=0, keepdims=True)
        cstar = jnp.min(jnp.where(m2 == m, ci, jnp.int32(MAXI)),
                        axis=0, keepdims=True)
        gidx = cstar * CHUNK + (m & (CHUNK - 1))
        p = jnp.where(fi == gidx.reshape(1, 1, RB), jnp.int32(MAXI), p)
        acc = jnp.where(ti == t, gidx, acc)
        return (p, acc)

    _, acc = lax.fori_loop(0, K, it, (p, jnp.zeros((K, RB), jnp.int32)))
    idx_ref[0] = acc


def _tc_topk(vertices):
    b, n, _ = vertices.shape
    return pl.pallas_call(
        _topk_body,
        grid=(b, n // RB),
        in_specs=[
            pl.BlockSpec((1, n, C), lambda i, j: (i, 0, 0)),
            pl.BlockSpec((1, RB, C), lambda i, j: (i, j, 0)),
        ],
        out_specs=pl.BlockSpec((1, K, RB), lambda i, j: (i, 0, j)),
        out_shape=jax.ShapeDtypeStruct((b, K, n), jnp.int32),
    )(vertices, vertices)


BH = B_ // 4
ROWS_PER_W = N_ * BH // 32
SUB = 256
NSUB = ROWS_PER_W // SUB


def _sc_gather(v_flat, idx_t):
    mesh = plsc.VectorSubcoreMesh(core_axis_name="c", subcore_axis_name="s")

    @functools.partial(
        pl.kernel,
        mesh=mesh,
        out_type=jax.ShapeDtypeStruct((BH * N_ * K * 2 * C,), jnp.float32),
        compiler_params=pltpu.CompilerParams(needs_layout_passes=False),
        scratch_types=[
            pltpu.VMEM((N_ * C,), jnp.float32),
            pltpu.VMEM((K, SUB), jnp.int32),
            pltpu.VMEM((SUB * K * 2 * C,), jnp.float32),
        ],
    )
    def body(v_hbm, idx_hbm, out_hbm, vf, idxb, outb):
        wid = lax.axis_index("c") * 16 + lax.axis_index("s")
        b = wid // 16
        q = wid % 16
        pltpu.sync_copy(v_hbm.at[pl.ds(b * N_ * C, N_ * C)], vf)
        i6 = lax.iota(jnp.int32, 16) * jnp.int32(2 * C)
        t_iota = lax.iota(jnp.int32, 16)

        for s in range(NSUB):
            row0 = q * ROWS_PER_W + s * SUB
            pltpu.sync_copy(idx_hbm.at[b, pl.ds(0, K), pl.ds(row0, SUB)],
                            idxb)

            def rb(r, carry):
                rv = jnp.broadcast_to(r, (16,)).astype(jnp.int32)
                iv3 = plsc.load_gather(idxb, [t_iota, rv]) * 3
                civ3 = jnp.broadcast_to((row0 + r) * 3, (16,)).astype(
                    jnp.int32)
                nx = plsc.load_gather(vf, [iv3])
                ny = plsc.load_gather(vf, [iv3 + 1])
                nz = plsc.load_gather(vf, [iv3 + 2])
                cx = plsc.load_gather(vf, [civ3])
                cy = plsc.load_gather(vf, [civ3 + 1])
                cz = plsc.load_gather(vf, [civ3 + 2])
                off = r * jnp.int32(K * 2 * C) + i6
                plsc.store_scatter(outb, [off + 0], nx - cx)
                plsc.store_scatter(outb, [off + 1], ny - cy)
                plsc.store_scatter(outb, [off + 2], nz - cz)
                plsc.store_scatter(outb, [off + 3], cx)
                plsc.store_scatter(outb, [off + 4], cy)
                plsc.store_scatter(outb, [off + 5], cz)
                return carry

            lax.fori_loop(0, SUB, rb, 0)
            goff = (b * N_ + row0) * K * 2 * C
            pltpu.sync_copy(outb, out_hbm.at[pl.ds(goff, SUB * K * 2 * C)])

    return body(v_flat, idx_t)


def kernel(vertices):
    b, n, c = vertices.shape
    outs = []
    for i in range(0, b, BH):
        vi = vertices[i:i + BH]
        idxi = _tc_topk(vi)
        outs.append(_sc_gather(vi.reshape(-1), idxi))
    out = jnp.concatenate(outs)
    return out.reshape(b, n, K, 2 * c)

# --- scband reference (transcript-rebuilt; emitter-appended) ---
"""Pipeline reference for scband-neighbor-feature-generator-23519240913429 (READ-ONLY COPY).

The authoritative reference and input builder live on the scoring server;
editing this copy changes nothing except your own understanding.
"""

import jax
import jax.numpy as jnp
import numpy as np

NEIGHBOR_NUM = 16
CHANNELS = 3
B, N = 8, 4096


def setup_inputs(seed: int = 0) -> dict:
    key = jax.random.key(seed)
    vertices = jax.random.normal(key, (B, N, CHANNELS), dtype=jnp.float32)
    return {"vertices": vertices}


def reference(vertices):
    # NeighborFeatureGenerator forward: kNN on point coordinates, then
    # gather neighbor features and form (neighbor - center, center) pairs
    # (canonical graph-feature / DGCNN-style neighbor feature generation).
    k = NEIGHBOR_NUM
    b, n, c = vertices.shape
    # pairwise squared distances: [B, N, N]
    inner = jnp.einsum('bnc,bmc->bnm', vertices, vertices)
    sq = jnp.sum(vertices * vertices, axis=-1)  # [B, N]
    dist = sq[:, :, None] - 2.0 * inner + sq[:, None, :]
    # top-(k+1) nearest (smallest distance) -> take top_k of negative distance
    _, idx = jax.lax.top_k(-dist, k + 1)  # [B, N, k+1]
    idx = idx[:, :, 1:]  # drop self (distance 0), -> [B, N, k]
    # gather neighbor features: neighbors[b, i, j, :] = vertices[b, idx[b, i, j], :]
    batch_idx = jnp.arange(b)[:, None, None]  # [B, 1, 1]
    neighbors = vertices[batch_idx, idx]  # [B, N, k, C]
    center = jnp.broadcast_to(vertices[:, :, None, :], (b, n, k, c))
    out = jnp.concatenate([neighbors - center, center], axis=-1)  # [B, N, k, 2C]
    return out

if __name__ == "__main__":
    import jax
    _d = setup_inputs()
    print(jax.jit(kernel)(*tuple(_d.values())))

</pallas_src>

<mosaic_0001>
#map = affine_map<(d0, d1) -> (0)>
#map1 = affine_map<(d0, d1) -> (0, 0, 0)>
module attributes {stable_mosaic.version = 14 : i64} {
  func.func @body(%arg0: i32, %arg1: i32, %arg2: memref<24576xf32, #tpu.memory_space<hbm>>, %arg3: memref<2x16x4096xi32, #tpu.memory_space<hbm>>, %arg4: memref<786432xf32, #tpu.memory_space<hbm>>, %arg5: memref<12288xf32, #tpu.memory_space<vmem>>, %arg6: memref<16x256xi32, #tpu.memory_space<vmem>>, %arg7: memref<24576xf32, #tpu.memory_space<vmem>>) attributes {dimension_semantics = [#tpu.dimension_semantics<core_parallel>, #tpu.dimension_semantics<subcore_parallel>], iteration_bounds = array<i64: 2, 16>, scalar_prefetch = 0 : i64, scratch_operands = 3 : i64, tpu.core_type = #tpu.core_type<sc_vector_subcore>, window_params = [{transform_indices = #map}, {transform_indices = #map1}, {transform_indices = #map}]} {
    %mul3A = arith.constant 16 : i32
    %mul3A_0 = arith.muli %arg0, %mul3A : i32
    %add3A = arith.addi %mul3A_0, %arg1 : i32
    %jit3A = arith.constant 16 : i32
    %div3A = arith.divsi %add3A, %jit3A : i32
    %sign3A = arith.constant 0 : i32
    %sign3A_1 = arith.cmpi sgt, %add3A, %sign3A : i32
    %sign3A_2 = arith.extui %sign3A_1 : i1 to i32
    %sign3A_3 = arith.constant 0 : i32
    %sign3A_4 = arith.cmpi slt, %add3A, %sign3A_3 : i32
    %sign3A_5 = arith.extui %sign3A_4 : i1 to i32
    %sign3A_6 = arith.subi %sign3A_2, %sign3A_5 : i32
    %sign3A_7 = arith.constant 0 : i32
    %sign3A_8 = arith.cmpi sgt, %jit3A, %sign3A_7 : i32
    %sign3A_9 = arith.extui %sign3A_8 : i1 to i32
    %sign3A_10 = arith.constant 0 : i32
    %sign3A_11 = arith.cmpi slt, %jit3A, %sign3A_10 : i32
    %sign3A_12 = arith.extui %sign3A_11 : i1 to i32
    %sign3A_13 = arith.subi %sign3A_9, %sign3A_12 : i32
    %ne3A = arith.cmpi ne, %sign3A_6, %sign3A_13 : i32
    %rem3A = arith.remsi %add3A, %jit3A : i32
    %ne3A_14 = arith.constant 0 : i32
    %ne3A_15 = arith.cmpi ne, %rem3A, %ne3A_14 : i32
    %and3A = arith.andi %ne3A, %ne3A_15 : i1
    %sub3A = arith.constant 1 : i32
    %sub3A_16 = arith.subi %div3A, %sub3A : i32
    %select_n3A = arith.select %and3A, %sub3A_16, %div3A : i32
    %jit3A_17 = arith.constant 16 : i32
    %eq3A = arith.constant 0 : i32
    %eq3A_18 = arith.cmpi eq, %jit3A_17, %eq3A : i32
    %jit3A_19 = arith.constant 1 : i32
    %select_n3A_20 = arith.select %eq3A_18, %jit3A_19, %jit3A_17 : i32
    %rem3A_21 = arith.remsi %add3A, %select_n3A_20 : i32
    %ne3A_22 = arith.constant 0 : i32
    %ne3A_23 = arith.cmpi ne, %rem3A_21, %ne3A_22 : i32
    %lt3A = arith.constant 0 : i32
    %lt3A_24 = arith.cmpi slt, %rem3A_21, %lt3A : i32
    %lt3A_25 = arith.constant 0 : i32
    %lt3A_26 = arith.cmpi slt, %select_n3A_20, %lt3A_25 : i32
    %ne3A_27 = arith.xori %lt3A_24, %lt3A_26 : i1
    %and3A_28 = arith.andi %ne3A_27, %ne3A_23 : i1
    %add3A_29 = arith.addi %rem3A_21, %select_n3A_20 : i32
    %select_n3A_30 = arith.select %and3A_28, %add3A_29, %rem3A_21 : i32
    %mul3A_31 = arith.constant 4096 : i32
    %mul3A_32 = arith.muli %select_n3A, %mul3A_31 : i32
    %mul3A_33 = arith.constant 3 : i32
    %mul3A_34 = arith.muli %mul3A_32, %mul3A_33 : i32
    "tpu.region"() ({
      %run_scoped3A = tpu.sem_alloc : memref<!tpu.dma_semaphore, #tpu.memory_space<semaphore_mem>>
      %dma_start3A = tpu.memref_slice %arg2[%mul3A_34] : memref<24576xf32, #tpu.memory_space<hbm>> -> memref<12288xf32, #tpu.memory_space<hbm>>
      %dma_start3A_57 = tpu.memref_slice %arg2[%mul3A_34] : memref<24576xf32, #tpu.memory_space<hbm>> -> memref<12288xf32, #tpu.memory_space<hbm>>
      tpu.enqueue_dma source(%dma_start3A_57 : memref<12288xf32, #tpu.memory_space<hbm>>) target(%arg5 : memref<12288xf32, #tpu.memory_space<vmem>>) target_semaphore(%run_scoped3A : memref<!tpu.dma_semaphore, #tpu.memory_space<semaphore_mem>>)
      %dma_wait3A = tpu.memref_slice %arg2[%mul3A_34] : memref<24576xf32, #tpu.memory_space<hbm>> -> memref<12288xf32, #tpu.memory_space<hbm>>
      %dma_wait3A_58 = tpu.memref_slice %arg2[%mul3A_34] : memref<24576xf32, #tpu.memory_space<hbm>> -> memref<12288xf32, #tpu.memory_space<hbm>>
      tpu.wait_dma2 semaphore(%run_scoped3A : memref<!tpu.dma_semaphore, #tpu.memory_space<semaphore_mem>>) src(%dma_wait3A_58 : memref<12288xf32, #tpu.memory_space<hbm>>) dst(%arg5 : memref<12288xf32, #tpu.memory_space<vmem>>)
      tpu.yield
    }) : () -> ()
    %iota3A = tpu.iota {dimensions = array<i32: 0>} : vector<16xi32>
    %mul3A_35 = arith.constant 6 : i32
    %mul3A_36 = vector.broadcast %mul3A_35 : i32 to vector<16xi32>
    %mul3A_37 = arith.muli %iota3A, %mul3A_36 : vector<16xi32>
    %iota3A_38 = tpu.iota {dimensions = array<i32: 0>} : vector<16xi32>
    %mul3A_39 = arith.constant 256 : i32
    %mul3A_40 = arith.muli %select_n3A_30, %mul3A_39 : i32
    %add3A_41 = arith.constant 0 : i32
    %add3A_42 = arith.addi %mul3A_40, %add3A_41 : i32
    "tpu.region"() ({
      %run_scoped3A = tpu.sem_alloc : memref<!tpu.dma_semaphore, #tpu.memory_space<semaphore_mem>>
      %dma_start3A = arith.constant 0 : i32
      %dma_start3A_57 = tpu.memref_slice %arg3[%select_n3A, %dma_start3A, %add3A_42] : memref<2x16x4096xi32, #tpu.memory_space<hbm>> -> memref<1x16x256xi32, #tpu.memory_space<hbm>>
      %dma_start3A_58 = tpu.memref_squeeze %dma_start3A_57 : memref<1x16x256xi32, #tpu.memory_space<hbm>> -> memref<16x256xi32, #tpu.memory_space<hbm>>
      %dma_start3A_59 = arith.constant 0 : i32
      %dma_start3A_60 = tpu.memref_slice %arg3[%select_n3A, %dma_start3A_59, %add3A_42] : memref<2x16x4096xi32, #tpu.memory_space<hbm>> -> memref<1x16x256xi32, #tpu.memory_space<hbm>>
      %dma_start3A_61 = tpu.memref_squeeze %dma_start3A_60 : memref<1x16x256xi32, #tpu.memory_space<hbm>> -> memref<16x256xi32, #tpu.memory_space<hbm>>
      tpu.enqueue_dma source(%dma_start3A_61 : memref<16x256xi32, #tpu.memory_space<hbm>>) target(%arg6 : memref<16x256xi32, #tpu.memory_space<vmem>>) target_semaphore(%run_scoped3A : memref<!tpu.dma_semaphore, #tpu.memory_space<semaphore_mem>>)
      %dma_wait3A = arith.constant 0 : i32
      %dma_wait3A_62 = tpu.memref_slice %arg3[%select_n3A, %dma_wait3A, %add3A_42] : memref<2x16x4096xi32, #tpu.memory_space<hbm>> -> memref<1x16x256xi32, #tpu.memory_space<hbm>>
      %dma_wait3A_63 = tpu.memref_squeeze %dma_wait3A_62 : memref<1x16x256xi32, #tpu.memory_space<hbm>> -> memref<16x256xi32, #tpu.memory_space<hbm>>
      %dma_wait3A_64 = arith.constant 0 : i32
      %dma_wait3A_65 = tpu.memref_slice %arg3[%select_n3A, %dma_wait3A_64, %add3A_42] : memref<2x16x4096xi32, #tpu.memory_space<hbm>> -> memref<1x16x256xi32, #tpu.memory_space<hbm>>
      %dma_wait3A_66 = tpu.memref_squeeze %dma_wait3A_65 : memref<1x16x256xi32, #tpu.memory_space<hbm>> -> memref<16x256xi32, #tpu.memory_space<hbm>>
      tpu.wait_dma2 semaphore(%run_scoped3A : memref<!tpu.dma_semaphore, #tpu.memory_space<semaphore_mem>>) src(%dma_wait3A_66 : memref<16x256xi32, #tpu.memory_space<hbm>>) dst(%arg6 : memref<16x256xi32, #tpu.memory_space<vmem>>)
      tpu.yield
    }) : () -> ()
    %scan3A = arith.constant 0 : i32
    %scan3A_43 = arith.constant 0 : i32
    %scan3A_44 = arith.constant 256 : i32
    %scan3A_45 = arith.addi %scan3A_43, %scan3A_44 : i32
    %scan3A_46 = arith.constant 1 : i32
    scf.for %scan3A_57 = %scan3A_43 to %scan3A_45 step %scan3A_46  : i32 {
      %broadcast_in_dim3A = vector.broadcast %scan3A_57 : i32 to vector<16xi32>
      %gather3A = tpu.vector_load_idx %arg6[%iota3A_38, %broadcast_in_dim3A] : memref<16x256xi32, #tpu.memory_space<vmem>>[vector<16xi32>, vector<16xi32>], vector<16xi32>,
      %mul3A_58 = arith.constant 3 : i32
      %mul3A_59 = vector.broadcast %mul3A_58 : i32 to vector<16xi32>
      %mul3A_60 = arith.muli %gather3A, %mul3A_59 : vector<16xi32>
      %add3A_61 = arith.addi %add3A_42, %scan3A_57 : i32
      %mul3A_62 = arith.constant 3 : i32
      %mul3A_63 = arith.muli %add3A_61, %mul3A_62 : i32
      %broadcast_in_dim3A_64 = vector.broadcast %mul3A_63 : i32 to vector<16xi32>
      %gather3A_65 = tpu.vector_load_idx %arg5[%mul3A_60] : memref<12288xf32, #tpu.memory_space<vmem>>[vector<16xi32>], vector<16xf32>,
      %add3A_66 = arith.constant 1 : i32
      %add3A_67 = vector.broadcast %add3A_66 : i32 to vector<16xi32>
      %add3A_68 = arith.addi %mul3A_60, %add3A_67 : vector<16xi32>
      %gather3A_69 = tpu.vector_load_idx %arg5[%add3A_68] : memref<12288xf32, #tpu.memory_space<vmem>>[vector<16xi32>], vector<16xf32>,
      %add3A_70 = arith.constant 2 : i32
      %add3A_71 = vector.broadcast %add3A_70 : i32 to vector<16xi32>
      %add3A_72 = arith.addi %mul3A_60, %add3A_71 : vector<16xi32>
      %gather3A_73 = tpu.vector_load_idx %arg5[%add3A_72] : memref<12288xf32, #tpu.memory_space<vmem>>[vector<16xi32>], vector<16xf32>,
      %gather3A_74 = tpu.vector_load_idx %arg5[%broadcast_in_dim3A_64] : memref<12288xf32, #tpu.memory_space<vmem>>[vector<16xi32>], vector<16xf32>,
      %add3A_75 = arith.constant 1 : i32
      %add3A_76 = vector.broadcast %add3A_75 : i32 to vector<16xi32>
      %add3A_77 = arith.addi %broadcast_in_dim3A_64, %add3A_76 : vector<16xi32>
      %gather3A_78 = tpu.vector_load_idx %arg5[%add3A_77] : memref<12288xf32, #tpu.memory_space<vmem>>[vector<16xi32>], vector<16xf32>,
      %add3A_79 = arith.constant 2 : i32
      %add3A_80 = vector.broadcast %add3A_79 : i32 to vector<16xi32>
      %add3A_81 = arith.addi %broadcast_in_dim3A_64, %add3A_80 : vector<16xi32>
      %gather3A_82 = tpu.vector_load_idx %arg5[%add3A_81] : memref<12288xf32, #tpu.memory_space<vmem>>[vector<16xi32>], vector<16xf32>,
      %mul3A_83 = arith.constant 96 : i32
      %mul3A_84 = arith.muli %scan3A_57, %mul3A_83 : i32
      %add3A_85 = vector.broadcast %mul3A_84 : i32 to vector<16xi32>
      %add3A_86 = arith.addi %add3A_85, %mul3A_37 : vector<16xi32>
      %add3A_87 = arith.constant 0 : i32
      %add3A_88 = vector.broadcast %add3A_87 : i32 to vector<16xi32>
      %add3A_89 = arith.addi %add3A_86, %add3A_88 : vector<16xi32>
      %sub3A_90 = arith.subf %gather3A_65, %gather3A_74 : vector<16xf32>
      tpu.vector_store_idx %arg7[%add3A_89], %sub3A_90 : memref<24576xf32, #tpu.memory_space<vmem>>[vector<16xi32>], vector<16xf32>,
      %add3A_91 = arith.constant 1 : i32
      %add3A_92 = vector.broadcast %add3A_91 : i32 to vector<16xi32>
      %add3A_93 = arith.addi %add3A_86, %add3A_92 : vector<16xi32>
      %sub3A_94 = arith.subf %gather3A_69, %gather3A_78 : vector<16xf32>
      tpu.vector_store_idx %arg7[%add3A_93], %sub3A_94 : memref<24576xf32, #tpu.memory_space<vmem>>[vector<16xi32>], vector<16xf32>,
      %add3A_95 = arith.constant 2 : i32
      %add3A_96 = vector.broadcast %add3A_95 : i32 to vector<16xi32>
      %add3A_97 = arith.addi %add3A_86, %add3A_96 : vector<16xi32>
      %sub3A_98 = arith.subf %gather3A_73, %gather3A_82 : vector<16xf32>
      tpu.vector_store_idx %arg7[%add3A_97], %sub3A_98 : memref<24576xf32, #tpu.memory_space<vmem>>[vector<16xi32>], vector<16xf32>,
      %add3A_99 = arith.constant 3 : i32
      %add3A_100 = vector.broadcast %add3A_99 : i32 to vector<16xi32>
      %add3A_101 = arith.addi %add3A_86, %add3A_100 : vector<16xi32>
      tpu.vector_store_idx %arg7[%add3A_101], %gather3A_74 : memref<24576xf32, #tpu.memory_space<vmem>>[vector<16xi32>], vector<16xf32>,
      %add3A_102 = arith.constant 4 : i32
      %add3A_103 = vector.broadcast %add3A_102 : i32 to vector<16xi32>
      %add3A_104 = arith.addi %add3A_86, %add3A_103 : vector<16xi32>
      tpu.vector_store_idx %arg7[%add3A_104], %gather3A_78 : memref<24576xf32, #tpu.memory_space<vmem>>[vector<16xi32>], vector<16xf32>,
      %add3A_105 = arith.constant 5 : i32
      %add3A_106 = vector.broadcast %add3A_105 : i32 to vector<16xi32>
      %add3A_107 = arith.addi %add3A_86, %add3A_106 : vector<16xi32>
      tpu.vector_store_idx %arg7[%add3A_107], %gather3A_82 : memref<24576xf32, #tpu.memory_space<vmem>>[vector<16xi32>], vector<16xf32>,
    }
    %scan3A_47 = arith.constant 256 : i32
    %mul3A_48 = arith.constant 4096 : i32
    %mul3A_49 = arith.muli %select_n3A, %mul3A_48 : i32
    %add3A_50 = arith.addi %mul3A_49, %add3A_42 : i32
    %mul3A_51 = arith.constant 16 : i32
    %mul3A_52 = arith.muli %add3A_50, %mul3A_51 : i32
    %mul3A_53 = arith.constant 2 : i32
    %mul3A_54 = arith.muli %mul3A_52, %mul3A_53 : i32
    %mul3A_55 = arith.constant 3 : i32
    %mul3A_56 = arith.muli %mul3A_54, %mul3A_55 : i32
    "tpu.region"() ({
      %run_scoped3A = tpu.sem_alloc : memref<!tpu.dma_semaphore, #tpu.memory_space<semaphore_mem>>
      %dma_start3A = tpu.memref_slice %arg4[%mul3A_56] : memref<786432xf32, #tpu.memory_space<hbm>> -> memref<24576xf32, #tpu.memory_space<hbm>>
      %dma_start3A_57 = tpu.memref_slice %arg4[%mul3A_56] : memref<786432xf32, #tpu.memory_space<hbm>> -> memref<24576xf32, #tpu.memory_space<hbm>>
      tpu.enqueue_dma source(%arg7 : memref<24576xf32, #tpu.memory_space<vmem>>) target(%dma_start3A_57 : memref<24576xf32, #tpu.memory_space<hbm>>) target_semaphore(%run_scoped3A : memref<!tpu.dma_semaphore, #tpu.memory_space<semaphore_mem>>)
      %dma_wait3A = tpu.memref_slice %arg4[%mul3A_56] : memref<786432xf32, #tpu.memory_space<hbm>> -> memref<24576xf32, #tpu.memory_space<hbm>>
      %dma_wait3A_58 = tpu.memref_slice %arg4[%mul3A_56] : memref<786432xf32, #tpu.memory_space<hbm>> -> memref<24576xf32, #tpu.memory_space<hbm>>
      tpu.wait_dma2 semaphore(%run_scoped3A : memref<!tpu.dma_semaphore, #tpu.memory_space<semaphore_mem>>) src(%arg7 : memref<24576xf32, #tpu.memory_space<vmem>>) dst(%dma_wait3A_58 : memref<24576xf32, #tpu.memory_space<hbm>>)
      tpu.yield
    }) : () -> ()
    return
  }
}

#map = affine_map<(d0, d1) -> (0)>
#map1 = affine_map<(d0, d1) -> (0, 0, 0)>
module attributes {stable_mosaic.version = 14 : i64} {
  func.func @body(%arg0: i32, %arg1: i32, %arg2: memref<24576xf32, #tpu.memory_space<hbm>>, %arg3: memref<2x16x4096xi32, #tpu.memory_space<hbm>>, %arg4: memref<786432xf32, #tpu.memory_space<hbm>>, %arg5: memref<12288xf32, #tpu.memory_space<vmem>>, %arg6: memref<16x256xi32, #tpu.memory_space<vmem>>, %arg7: memref<24576xf32, #tpu.memory_space<vmem>>) attributes {dimension_semantics = [#tpu.dimension_semantics<core_parallel>, #tpu.dimension_semantics<subcore_parallel>], iteration_bounds = array<i64: 2, 16>, scalar_prefetch = 0 : i64, scratch_operands = 3 : i64, tpu.core_type = #tpu.core_type<sc_vector_subcore>, window_params = [{transform_indices = #map}, {transform_indices = #map1}, {transform_indices = #map}]} {
    %mul3A = arith.constant 16 : i32
    %mul3A_0 = arith.muli %arg0, %mul3A : i32
    %add3A = arith.addi %mul3A_0, %arg1 : i32
    %jit3A = arith.constant 16 : i32
    %div3A = arith.divsi %add3A, %jit3A : i32
    %sign3A = arith.constant 0 : i32
    %sign3A_1 = arith.cmpi sgt, %add3A, %sign3A : i32
    %sign3A_2 = arith.extui %sign3A_1 : i1 to i32
    %sign3A_3 = arith.constant 0 : i32
    %sign3A_4 = arith.cmpi slt, %add3A, %sign3A_3 : i32
    %sign3A_5 = arith.extui %sign3A_4 : i1 to i32
    %sign3A_6 = arith.subi %sign3A_2, %sign3A_5 : i32
    %sign3A_7 = arith.constant 0 : i32
    %sign3A_8 = arith.cmpi sgt, %jit3A, %sign3A_7 : i32
    %sign3A_9 = arith.extui %sign3A_8 : i1 to i32
    %sign3A_10 = arith.constant 0 : i32
    %sign3A_11 = arith.cmpi slt, %jit3A, %sign3A_10 : i32
    %sign3A_12 = arith.extui %sign3A_11 : i1 to i32
    %sign3A_13 = arith.subi %sign3A_9, %sign3A_12 : i32
    %ne3A = arith.cmpi ne, %sign3A_6, %sign3A_13 : i32
    %rem3A = arith.remsi %add3A, %jit3A : i32
    %ne3A_14 = arith.constant 0 : i32
    %ne3A_15 = arith.cmpi ne, %rem3A, %ne3A_14 : i32
    %and3A = arith.andi %ne3A, %ne3A_15 : i1
    %sub3A = arith.constant 1 : i32
    %sub3A_16 = arith.subi %div3A, %sub3A : i32
    %select_n3A = arith.select %and3A, %sub3A_16, %div3A : i32
    %jit3A_17 = arith.constant 16 : i32
    %eq3A = arith.constant 0 : i32
    %eq3A_18 = arith.cmpi eq, %jit3A_17, %eq3A : i32
    %jit3A_19 = arith.constant 1 : i32
    %select_n3A_20 = arith.select %eq3A_18, %jit3A_19, %jit3A_17 : i32
    %rem3A_21 = arith.remsi %add3A, %select_n3A_20 : i32
    %ne3A_22 = arith.constant 0 : i32
    %ne3A_23 = arith.cmpi ne, %rem3A_21, %ne3A_22 : i32
    %lt3A = arith.constant 0 : i32
    %lt3A_24 = arith.cmpi slt, %rem3A_21, %lt3A : i32
    %lt3A_25 = arith.constant 0 : i32
    %lt3A_26 = arith.cmpi slt, %select_n3A_20, %lt3A_25 : i32
    %ne3A_27 = arith.xori %lt3A_24, %lt3A_26 : i1
    %and3A_28 = arith.andi %ne3A_27, %ne3A_23 : i1
    %add3A_29 = arith.addi %rem3A_21, %select_n3A_20 : i32
    %select_n3A_30 = arith.select %and3A_28, %add3A_29, %rem3A_21 : i32
    %mul3A_31 = arith.constant 4096 : i32
    %mul3A_32 = arith.muli %select_n3A, %mul3A_31 : i32
    %mul3A_33 = arith.constant 3 : i32
    %mul3A_34 = arith.muli %mul3A_32, %mul3A_33 : i32
    "tpu.region"() ({
      %run_scoped3A = tpu.sem_alloc : memref<!tpu.dma_semaphore, #tpu.memory_space<semaphore_mem>>
      %dma_start3A = tpu.memref_slice %arg2[%mul3A_34] : memref<24576xf32, #tpu.memory_space<hbm>> -> memref<12288xf32, #tpu.memory_space<hbm>>
      %dma_start3A_57 = tpu.memref_slice %arg2[%mul3A_34] : memref<24576xf32, #tpu.memory_space<hbm>> -> memref<12288xf32, #tpu.memory_space<hbm>>
      tpu.enqueue_dma source(%dma_start3A_57 : memref<12288xf32, #tpu.memory_space<hbm>>) target(%arg5 : memref<12288xf32, #tpu.memory_space<vmem>>) target_semaphore(%run_scoped3A : memref<!tpu.dma_semaphore, #tpu.memory_space<semaphore_mem>>)
      %dma_wait3A = tpu.memref_slice %arg2[%mul3A_34] : memref<24576xf32, #tpu.memory_space<hbm>> -> memref<12288xf32, #tpu.memory_space<hbm>>
      %dma_wait3A_58 = tpu.memref_slice %arg2[%mul3A_34] : memref<24576xf32, #tpu.memory_space<hbm>> -> memref<12288xf32, #tpu.memory_space<hbm>>
      tpu.wait_dma2 semaphore(%run_scoped3A : memref<!tpu.dma_semaphore, #tpu.memory_space<semaphore_mem>>) src(%dma_wait3A_58 : memref<12288xf32, #tpu.memory_space<hbm>>) dst(%arg5 : memref<12288xf32, #tpu.memory_space<vmem>>)
      tpu.yield
    }) : () -> ()
    %iota3A = tpu.iota {dimensions = array<i32: 0>} : vector<16xi32>
    %mul3A_35 = arith.constant 6 : i32
    %mul3A_36 = vector.broadcast %mul3A_35 : i32 to vector<16xi32>
    %mul3A_37 = arith.muli %iota3A, %mul3A_36 : vector<16xi32>
    %iota3A_38 = tpu.iota {dimensions = array<i32: 0>} : vector<16xi32>
    %mul3A_39 = arith.constant 256 : i32
    %mul3A_40 = arith.muli %select_n3A_30, %mul3A_39 : i32
    %add3A_41 = arith.constant 0 : i32
    %add3A_42 = arith.addi %mul3A_40, %add3A_41 : i32
    "tpu.region"() ({
      %run_scoped3A = tpu.sem_alloc : memref<!tpu.dma_semaphore, #tpu.memory_space<semaphore_mem>>
      %dma_start3A = arith.constant 0 : i32
      %dma_start3A_57 = tpu.memref_slice %arg3[%select_n3A, %dma_start3A, %add3A_42] : memref<2x16x4096xi32, #tpu.memory_space<hbm>> -> memref<1x16x256xi32, #tpu.memory_space<hbm>>
      %dma_start3A_58 = tpu.memref_squeeze %dma_start3A_57 : memref<1x16x256xi32, #tpu.memory_space<hbm>> -> memref<16x256xi32, #tpu.memory_space<hbm>>
      %dma_start3A_59 = arith.constant 0 : i32
      %dma_start3A_60 = tpu.memref_slice %arg3[%select_n3A, %dma_start3A_59, %add3A_42] : memref<2x16x4096xi32, #tpu.memory_space<hbm>> -> memref<1x16x256xi32, #tpu.memory_space<hbm>>
      %dma_start3A_61 = tpu.memref_squeeze %dma_start3A_60 : memref<1x16x256xi32, #tpu.memory_space<hbm>> -> memref<16x256xi32, #tpu.memory_space<hbm>>
      tpu.enqueue_dma source(%dma_start3A_61 : memref<16x256xi32, #tpu.memory_space<hbm>>) target(%arg6 : memref<16x256xi32, #tpu.memory_space<vmem>>) target_semaphore(%run_scoped3A : memref<!tpu.dma_semaphore, #tpu.memory_space<semaphore_mem>>)
      %dma_wait3A = arith.constant 0 : i32
      %dma_wait3A_62 = tpu.memref_slice %arg3[%select_n3A, %dma_wait3A, %add3A_42] : memref<2x16x4096xi32, #tpu.memory_space<hbm>> -> memref<1x16x256xi32, #tpu.memory_space<hbm>>
      %dma_wait3A_63 = tpu.memref_squeeze %dma_wait3A_62 : memref<1x16x256xi32, #tpu.memory_space<hbm>> -> memref<16x256xi32, #tpu.memory_space<hbm>>
      %dma_wait3A_64 = arith.constant 0 : i32
      %dma_wait3A_65 = tpu.memref_slice %arg3[%select_n3A, %dma_wait3A_64, %add3A_42] : memref<2x16x4096xi32, #tpu.memory_space<hbm>> -> memref<1x16x256xi32, #tpu.memory_space<hbm>>
      %dma_wait3A_66 = tpu.memref_squeeze %dma_wait3A_65 : memref<1x16x256xi32, #tpu.memory_space<hbm>> -> memref<16x256xi32, #tpu.memory_space<hbm>>
      tpu.wait_dma2 semaphore(%run_scoped3A : memref<!tpu.dma_semaphore, #tpu.memory_space<semaphore_mem>>) src(%dma_wait3A_66 : memref<16x256xi32, #tpu.memory_space<hbm>>) dst(%arg6 : memref<16x256xi32, #tpu.memory_space<vmem>>)
      tpu.yield
    }) : () -> ()
    %scan3A = arith.constant 0 : i32
    %scan3A_43 = arith.constant 0 : i32
    %scan3A_44 = arith.constant 256 : i32
    %scan3A_45 = arith.addi %scan3A_43, %scan3A_44 : i32
    %scan3A_46 = arith.constant 1 : i32
    scf.for %scan3A_57 = %scan3A_43 to %scan3A_45 step %scan3A_46  : i32 {
      %broadcast_in_dim3A = vector.broadcast %scan3A_57 : i32 to vector<16xi32>
      %gather3A = tpu.vector_load_idx %arg6[%iota3A_38, %broadcast_in_dim3A] : memref<16x256xi32, #tpu.memory_space<vmem>>[vector<16xi32>, vector<16xi32>], vector<16xi32>,
      %mul3A_58 = arith.constant 3 : i32
      %mul3A_59 = vector.broadcast %mul3A_58 : i32 to vector<16xi32>
      %mul3A_60 = arith.muli %gather3A, %mul3A_59 : vector<16xi32>
      %add3A_61 = arith.addi %add3A_42, %scan3A_57 : i32
      %mul3A_62 = arith.constant 3 : i32
      %mul3A_63 = arith.muli %add3A_61, %mul3A_62 : i32
      %broadcast_in_dim3A_64 = vector.broadcast %mul3A_63 : i32 to vector<16xi32>
      %gather3A_65 = tpu.vector_load_idx %arg5[%mul3A_60] : memref<12288xf32, #tpu.memory_space<vmem>>[vector<16xi32>], vector<16xf32>,
      %add3A_66 = arith.constant 1 : i32
      %add3A_67 = vector.broadcast %add3A_66 : i32 to vector<16xi32>
      %add3A_68 = arith.addi %mul3A_60, %add3A_67 : vector<16xi32>
      %gather3A_69 = tpu.vector_load_idx %arg5[%add3A_68] : memref<12288xf32, #tpu.memory_space<vmem>>[vector<16xi32>], vector<16xf32>,
      %add3A_70 = arith.constant 2 : i32
      %add3A_71 = vector.broadcast %add3A_70 : i32 to vector<16xi32>
      %add3A_72 = arith.addi %mul3A_60, %add3A_71 : vector<16xi32>
      %gather3A_73 = tpu.vector_load_idx %arg5[%add3A_72] : memref<12288xf32, #tpu.memory_space<vmem>>[vector<16xi32>], vector<16xf32>,
      %gather3A_74 = tpu.vector_load_idx %arg5[%broadcast_in_dim3A_64] : memref<12288xf32, #tpu.memory_space<vmem>>[vector<16xi32>], vector<16xf32>,
      %add3A_75 = arith.constant 1 : i32
      %add3A_76 = vector.broadcast %add3A_75 : i32 to vector<16xi32>
      %add3A_77 = arith.addi %broadcast_in_dim3A_64, %add3A_76 : vector<16xi32>
      %gather3A_78 = tpu.vector_load_idx %arg5[%add3A_77] : memref<12288xf32, #tpu.memory_space<vmem>>[vector<16xi32>], vector<16xf32>,
      %add3A_79 = arith.constant 2 : i32
      %add3A_80 = vector.broadcast %add3A_79 : i32 to vector<16xi32>
      %add3A_81 = arith.addi %broadcast_in_dim3A_64, %add3A_80 : vector<16xi32>
      %gather3A_82 = tpu.vector_load_idx %arg5[%add3A_81] : memref<12288xf32, #tpu.memory_space<vmem>>[vector<16xi32>], vector<16xf32>,
      %mul3A_83 = arith.constant 96 : i32
      %mul3A_84 = arith.muli %scan3A_57, %mul3A_83 : i32
      %add3A_85 = vector.broadcast %mul3A_84 : i32 to vector<16xi32>
      %add3A_86 = arith.addi %add3A_85, %mul3A_37 : vector<16xi32>
      %add3A_87 = arith.constant 0 : i32
      %add3A_88 = vector.broadcast %add3A_87 : i32 to vector<16xi32>
      %add3A_89 = arith.addi %add3A_86, %add3A_88 : vector<16xi32>
      %sub3A_90 = arith.subf %gather3A_65, %gather3A_74 : vector<16xf32>
      tpu.vector_store_idx %arg7[%add3A_89], %sub3A_90 : memref<24576xf32, #tpu.memory_space<vmem>>[vector<16xi32>], vector<16xf32>,
      %add3A_91 = arith.constant 1 : i32
      %add3A_92 = vector.broadcast %add3A_91 : i32 to vector<16xi32>
      %add3A_93 = arith.addi %add3A_86, %add3A_92 : vector<16xi32>
      %sub3A_94 = arith.subf %gather3A_69, %gather3A_78 : vector<16xf32>
      tpu.vector_store_idx %arg7[%add3A_93], %sub3A_94 : memref<24576xf32, #tpu.memory_space<vmem>>[vector<16xi32>], vector<16xf32>,
      %add3A_95 = arith.constant 2 : i32
      %add3A_96 = vector.broadcast %add3A_95 : i32 to vector<16xi32>
      %add3A_97 = arith.addi %add3A_86, %add3A_96 : vector<16xi32>
      %sub3A_98 = arith.subf %gather3A_73, %gather3A_82 : vector<16xf32>
      tpu.vector_store_idx %arg7[%add3A_97], %sub3A_98 : memref<24576xf32, #tpu.memory_space<vmem>>[vector<16xi32>], vector<16xf32>,
      %add3A_99 = arith.constant 3 : i32
      %add3A_100 = vector.broadcast %add3A_99 : i32 to vector<16xi32>
      %add3A_101 = arith.addi %add3A_86, %add3A_100 : vector<16xi32>
      tpu.vector_store_idx %arg7[%add3A_101], %gather3A_74 : memref<24576xf32, #tpu.memory_space<vmem>>[vector<16xi32>], vector<16xf32>,
      %add3A_102 = arith.constant 4 : i32
      %add3A_103 = vector.broadcast %add3A_102 : i32 to vector<16xi32>
      %add3A_104 = arith.addi %add3A_86, %add3A_103 : vector<16xi32>
      tpu.vector_store_idx %arg7[%add3A_104], %gather3A_78 : memref<24576xf32, #tpu.memory_space<vmem>>[vector<16xi32>], vector<16xf32>,
      %add3A_105 = arith.constant 5 : i32
      %add3A_106 = vector.broadcast %add3A_105 : i32 to vector<16xi32>
      %add3A_107 = arith.addi %add3A_86, %add3A_106 : vector<16xi32>
      tpu.vector_store_idx %arg7[%add3A_107], %gather3A_82 : memref<24576xf32, #tpu.memory_space<vmem>>[vector<16xi32>], vector<16xf32>,
    }
    %scan3A_47 = arith.constant 256 : i32
    %mul3A_48 = arith.constant 4096 : i32
    %mul3A_49 = arith.muli %select_n3A, %mul3A_48 : i32
    %add3A_50 = arith.addi %mul3A_49, %add3A_42 : i32
    %mul3A_51 = arith.constant 16 : i32
    %mul3A_52 = arith.muli %add3A_50, %mul3A_51 : i32
    %mul3A_53 = arith.constant 2 : i32
    %mul3A_54 = arith.muli %mul3A_52, %mul3A_53 : i32
    %mul3A_55 = arith.constant 3 : i32
    %mul3A_56 = arith.muli %mul3A_54, %mul3A_55 : i32
    "tpu.region"() ({
      %run_scoped3A = tpu.sem_alloc : memref<!tpu.dma_semaphore, #tpu.memory_space<semaphore_mem>>
      %dma_start3A = tpu.memref_slice %arg4[%mul3A_56] : memref<786432xf32, #tpu.memory_space<hbm>> -> memref<24576xf32, #tpu.memory_space<hbm>>
      %dma_start3A_57 = tpu.memref_slice %arg4[%mul3A_56] : memref<786432xf32, #tpu.memory_space<hbm>> -> memref<24576xf32, #tpu.memory_space<hbm>>
      tpu.enqueue_dma source(%arg7 : memref<24576xf32, #tpu.memory_space<vmem>>) target(%dma_start3A_57 : memref<24576xf32, #tpu.memory_space<hbm>>) target_semaphore(%run_scoped3A : memref<!tpu.dma_semaphore, #tpu.memory_space<semaphore_mem>>)
      %dma_wait3A = tpu.memref_slice %arg4[%mul3A_56] : memref<786432xf32, #tpu.memory_space<hbm>> -> memref<24576xf32, #tpu.memory_space<hbm>>
      %dma_wait3A_58 = tpu.memref_slice %arg4[%mul3A_56] : memref<786432xf32, #tpu.memory_space<hbm>> -> memref<24576xf32, #tpu.memory_space<hbm>>
      tpu.wait_dma2 semaphore(%run_scoped3A : memref<!tpu.dma_semaphore, #tpu.memory_space<semaphore_mem>>) src(%arg7 : memref<24576xf32, #tpu.memory_space<vmem>>) dst(%dma_wait3A_58 : memref<24576xf32, #tpu.memory_space<hbm>>)
      tpu.yield
    }) : () -> ()
    return
  }
}

#map = affine_map<(d0, d1) -> (0)>
#map1 = affine_map<(d0, d1) -> (0, 0, 0)>
module attributes {stable_mosaic.version = 14 : i64} {
  func.func @body(%arg0: i32, %arg1: i32, %arg2: memref<24576xf32, #tpu.memory_space<hbm>>, %arg3: memref<2x16x4096xi32, #tpu.memory_space<hbm>>, %arg4: memref<786432xf32, #tpu.memory_space<hbm>>, %arg5: memref<12288xf32, #tpu.memory_space<vmem>>, %arg6: memref<16x256xi32, #tpu.memory_space<vmem>>, %arg7: memref<24576xf32, #tpu.memory_space<vmem>>) attributes {dimension_semantics = [#tpu.dimension_semantics<core_parallel>, #tpu.dimension_semantics<subcore_parallel>], iteration_bounds = array<i64: 2, 16>, scalar_prefetch = 0 : i64, scratch_operands = 3 : i64, tpu.core_type = #tpu.core_type<sc_vector_subcore>, window_params = [{transform_indices = #map}, {transform_indices = #map1}, {transform_indices = #map}]} {
    %mul3A = arith.constant 16 : i32
    %mul3A_0 = arith.muli %arg0, %mul3A : i32
    %add3A = arith.addi %mul3A_0, %arg1 : i32
    %jit3A = arith.constant 16 : i32
    %div3A = arith.divsi %add3A, %jit3A : i32
    %sign3A = arith.constant 0 : i32
    %sign3A_1 = arith.cmpi sgt, %add3A, %sign3A : i32
    %sign3A_2 = arith.extui %sign3A_1 : i1 to i32
    %sign3A_3 = arith.constant 0 : i32
    %sign3A_4 = arith.cmpi slt, %add3A, %sign3A_3 : i32
    %sign3A_5 = arith.extui %sign3A_4 : i1 to i32
    %sign3A_6 = arith.subi %sign3A_2, %sign3A_5 : i32
    %sign3A_7 = arith.constant 0 : i32
    %sign3A_8 = arith.cmpi sgt, %jit3A, %sign3A_7 : i32
    %sign3A_9 = arith.extui %sign3A_8 : i1 to i32
    %sign3A_10 = arith.constant 0 : i32
    %sign3A_11 = arith.cmpi slt, %jit3A, %sign3A_10 : i32
    %sign3A_12 = arith.extui %sign3A_11 : i1 to i32
    %sign3A_13 = arith.subi %sign3A_9, %sign3A_12 : i32
    %ne3A = arith.cmpi ne, %sign3A_6, %sign3A_13 : i32
    %rem3A = arith.remsi %add3A, %jit3A : i32
    %ne3A_14 = arith.constant 0 : i32
    %ne3A_15 = arith.cmpi ne, %rem3A, %ne3A_14 : i32
    %and3A = arith.andi %ne3A, %ne3A_15 : i1
    %sub3A = arith.constant 1 : i32
    %sub3A_16 = arith.subi %div3A, %sub3A : i32
    %select_n3A = arith.select %and3A, %sub3A_16, %div3A : i32
    %jit3A_17 = arith.constant 16 : i32
    %eq3A = arith.constant 0 : i32
    %eq3A_18 = arith.cmpi eq, %jit3A_17, %eq3A : i32
    %jit3A_19 = arith.constant 1 : i32
    %select_n3A_20 = arith.select %eq3A_18, %jit3A_19, %jit3A_17 : i32
    %rem3A_21 = arith.remsi %add3A, %select_n3A_20 : i32
    %ne3A_22 = arith.constant 0 : i32
    %ne3A_23 = arith.cmpi ne, %rem3A_21, %ne3A_22 : i32
    %lt3A = arith.constant 0 : i32
    %lt3A_24 = arith.cmpi slt, %rem3A_21, %lt3A : i32
    %lt3A_25 = arith.constant 0 : i32
    %lt3A_26 = arith.cmpi slt, %select_n3A_20, %lt3A_25 : i32
    %ne3A_27 = arith.xori %lt3A_24, %lt3A_26 : i1
    %and3A_28 = arith.andi %ne3A_27, %ne3A_23 : i1
    %add3A_29 = arith.addi %rem3A_21, %select_n3A_20 : i32
    %select_n3A_30 = arith.select %and3A_28, %add3A_29, %rem3A_21 : i32
    %mul3A_31 = arith.constant 4096 : i32
    %mul3A_32 = arith.muli %select_n3A, %mul3A_31 : i32
    %mul3A_33 = arith.constant 3 : i32
    %mul3A_34 = arith.muli %mul3A_32, %mul3A_33 : i32
    "tpu.region"() ({
      %run_scoped3A = tpu.sem_alloc : memref<!tpu.dma_semaphore, #tpu.memory_space<semaphore_mem>>
      %dma_start3A = tpu.memref_slice %arg2[%mul3A_34] : memref<24576xf32, #tpu.memory_space<hbm>> -> memref<12288xf32, #tpu.memory_space<hbm>>
      %dma_start3A_57 = tpu.memref_slice %arg2[%mul3A_34] : memref<24576xf32, #tpu.memory_space<hbm>> -> memref<12288xf32, #tpu.memory_space<hbm>>
      tpu.enqueue_dma source(%dma_start3A_57 : memref<12288xf32, #tpu.memory_space<hbm>>) target(%arg5 : memref<12288xf32, #tpu.memory_space<vmem>>) target_semaphore(%run_scoped3A : memref<!tpu.dma_semaphore, #tpu.memory_space<semaphore_mem>>)
      %dma_wait3A = tpu.memref_slice %arg2[%mul3A_34] : memref<24576xf32, #tpu.memory_space<hbm>> -> memref<12288xf32, #tpu.memory_space<hbm>>
      %dma_wait3A_58 = tpu.memref_slice %arg2[%mul3A_34] : memref<24576xf32, #tpu.memory_space<hbm>> -> memref<12288xf32, #tpu.memory_space<hbm>>
      tpu.wait_dma2 semaphore(%run_scoped3A : memref<!tpu.dma_semaphore, #tpu.memory_space<semaphore_mem>>) src(%dma_wait3A_58 : memref<12288xf32, #tpu.memory_space<hbm>>) dst(%arg5 : memref<12288xf32, #tpu.memory_space<vmem>>)
      tpu.yield
    }) : () -> ()
    %iota3A = tpu.iota {dimensions = array<i32: 0>} : vector<16xi32>
    %mul3A_35 = arith.constant 6 : i32
    %mul3A_36 = vector.broadcast %mul3A_35 : i32 to vector<16xi32>
    %mul3A_37 = arith.muli %iota3A, %mul3A_36 : vector<16xi32>
    %iota3A_38 = tpu.iota {dimensions = array<i32: 0>} : vector<16xi32>
    %mul3A_39 = arith.constant 256 : i32
    %mul3A_40 = arith.muli %select_n3A_30, %mul3A_39 : i32
    %add3A_41 = arith.constant 0 : i32
    %add3A_42 = arith.addi %mul3A_40, %add3A_41 : i32
    "tpu.region"() ({
      %run_scoped3A = tpu.sem_alloc : memref<!tpu.dma_semaphore, #tpu.memory_space<semaphore_mem>>
      %dma_start3A = arith.constant 0 : i32
      %dma_start3A_57 = tpu.memref_slice %arg3[%select_n3A, %dma_start3A, %add3A_42] : memref<2x16x4096xi32, #tpu.memory_space<hbm>> -> memref<1x16x256xi32, #tpu.memory_space<hbm>>
      %dma_start3A_58 = tpu.memref_squeeze %dma_start3A_57 : memref<1x16x256xi32, #tpu.memory_space<hbm>> -> memref<16x256xi32, #tpu.memory_space<hbm>>
      %dma_start3A_59 = arith.constant 0 : i32
      %dma_start3A_60 = tpu.memref_slice %arg3[%select_n3A, %dma_start3A_59, %add3A_42] : memref<2x16x4096xi32, #tpu.memory_space<hbm>> -> memref<1x16x256xi32, #tpu.memory_space<hbm>>
      %dma_start3A_61 = tpu.memref_squeeze %dma_start3A_60 : memref<1x16x256xi32, #tpu.memory_space<hbm>> -> memref<16x256xi32, #tpu.memory_space<hbm>>
      tpu.enqueue_dma source(%dma_start3A_61 : memref<16x256xi32, #tpu.memory_space<hbm>>) target(%arg6 : memref<16x256xi32, #tpu.memory_space<vmem>>) target_semaphore(%run_scoped3A : memref<!tpu.dma_semaphore, #tpu.memory_space<semaphore_mem>>)
      %dma_wait3A = arith.constant 0 : i32
      %dma_wait3A_62 = tpu.memref_slice %arg3[%select_n3A, %dma_wait3A, %add3A_42] : memref<2x16x4096xi32, #tpu.memory_space<hbm>> -> memref<1x16x256xi32, #tpu.memory_space<hbm>>
      %dma_wait3A_63 = tpu.memref_squeeze %dma_wait3A_62 : memref<1x16x256xi32, #tpu.memory_space<hbm>> -> memref<16x256xi32, #tpu.memory_space<hbm>>
      %dma_wait3A_64 = arith.constant 0 : i32
      %dma_wait3A_65 = tpu.memref_slice %arg3[%select_n3A, %dma_wait3A_64, %add3A_42] : memref<2x16x4096xi32, #tpu.memory_space<hbm>> -> memref<1x16x256xi32, #tpu.memory_space<hbm>>
      %dma_wait3A_66 = tpu.memref_squeeze %dma_wait3A_65 : memref<1x16x256xi32, #tpu.memory_space<hbm>> -> memref<16x256xi32, #tpu.memory_space<hbm>>
      tpu.wait_dma2 semaphore(%run_scoped3A : memref<!tpu.dma_semaphore, #tpu.memory_space<semaphore_mem>>) src(%dma_wait3A_66 : memref<16x256xi32, #tpu.memory_space<hbm>>) dst(%arg6 : memref<16x256xi32, #tpu.memory_space<vmem>>)
      tpu.yield
    }) : () -> ()
    %scan3A = arith.constant 0 : i32
    %scan3A_43 = arith.constant 0 : i32
    %scan3A_44 = arith.constant 256 : i32
    %scan3A_45 = arith.addi %scan3A_43, %scan3A_44 : i32
    %scan3A_46 = arith.constant 1 : i32
    scf.for %scan3A_57 = %scan3A_43 to %scan3A_45 step %scan3A_46  : i32 {
      %broadcast_in_dim3A = vector.broadcast %scan3A_57 : i32 to vector<16xi32>
      %gather3A = tpu.vector_load_idx %arg6[%iota3A_38, %broadcast_in_dim3A] : memref<16x256xi32, #tpu.memory_space<vmem>>[vector<16xi32>, vector<16xi32>], vector<16xi32>,
      %mul3A_58 = arith.constant 3 : i32
      %mul3A_59 = vector.broadcast %mul3A_58 : i32 to vector<16xi32>
      %mul3A_60 = arith.muli %gather3A, %mul3A_59 : vector<16xi32>
      %add3A_61 = arith.addi %add3A_42, %scan3A_57 : i32
      %mul3A_62 = arith.constant 3 : i32
      %mul3A_63 = arith.muli %add3A_61, %mul3A_62 : i32
      %broadcast_in_dim3A_64 = vector.broadcast %mul3A_63 : i32 to vector<16xi32>
      %gather3A_65 = tpu.vector_load_idx %arg5[%mul3A_60] : memref<12288xf32, #tpu.memory_space<vmem>>[vector<16xi32>], vector<16xf32>,
      %add3A_66 = arith.constant 1 : i32
      %add3A_67 = vector.broadcast %add3A_66 : i32 to vector<16xi32>
      %add3A_68 = arith.addi %mul3A_60, %add3A_67 : vector<16xi32>
      %gather3A_69 = tpu.vector_load_idx %arg5[%add3A_68] : memref<12288xf32, #tpu.memory_space<vmem>>[vector<16xi32>], vector<16xf32>,
      %add3A_70 = arith.constant 2 : i32
      %add3A_71 = vector.broadcast %add3A_70 : i32 to vector<16xi32>
      %add3A_72 = arith.addi %mul3A_60, %add3A_71 : vector<16xi32>
      %gather3A_73 = tpu.vector_load_idx %arg5[%add3A_72] : memref<12288xf32, #tpu.memory_space<vmem>>[vector<16xi32>], vector<16xf32>,
      %gather3A_74 = tpu.vector_load_idx %arg5[%broadcast_in_dim3A_64] : memref<12288xf32, #tpu.memory_space<vmem>>[vector<16xi32>], vector<16xf32>,
      %add3A_75 = arith.constant 1 : i32
      %add3A_76 = vector.broadcast %add3A_75 : i32 to vector<16xi32>
      %add3A_77 = arith.addi %broadcast_in_dim3A_64, %add3A_76 : vector<16xi32>
      %gather3A_78 = tpu.vector_load_idx %arg5[%add3A_77] : memref<12288xf32, #tpu.memory_space<vmem>>[vector<16xi32>], vector<16xf32>,
      %add3A_79 = arith.constant 2 : i32
      %add3A_80 = vector.broadcast %add3A_79 : i32 to vector<16xi32>
      %add3A_81 = arith.addi %broadcast_in_dim3A_64, %add3A_80 : vector<16xi32>
      %gather3A_82 = tpu.vector_load_idx %arg5[%add3A_81] : memref<12288xf32, #tpu.memory_space<vmem>>[vector<16xi32>], vector<16xf32>,
      %mul3A_83 = arith.constant 96 : i32
      %mul3A_84 = arith.muli %scan3A_57, %mul3A_83 : i32
      %add3A_85 = vector.broadcast %mul3A_84 : i32 to vector<16xi32>
      %add3A_86 = arith.addi %add3A_85, %mul3A_37 : vector<16xi32>
      %add3A_87 = arith.constant 0 : i32
      %add3A_88 = vector.broadcast %add3A_87 : i32 to vector<16xi32>
      %add3A_89 = arith.addi %add3A_86, %add3A_88 : vector<16xi32>
      %sub3A_90 = arith.subf %gather3A_65, %gather3A_74 : vector<16xf32>
      tpu.vector_store_idx %arg7[%add3A_89], %sub3A_90 : memref<24576xf32, #tpu.memory_space<vmem>>[vector<16xi32>], vector<16xf32>,
      %add3A_91 = arith.constant 1 : i32
      %add3A_92 = vector.broadcast %add3A_91 : i32 to vector<16xi32>
      %add3A_93 = arith.addi %add3A_86, %add3A_92 : vector<16xi32>
      %sub3A_94 = arith.subf %gather3A_69, %gather3A_78 : vector<16xf32>
      tpu.vector_store_idx %arg7[%add3A_93], %sub3A_94 : memref<24576xf32, #tpu.memory_space<vmem>>[vector<16xi32>], vector<16xf32>,
      %add3A_95 = arith.constant 2 : i32
      %add3A_96 = vector.broadcast %add3A_95 : i32 to vector<16xi32>
      %add3A_97 = arith.addi %add3A_86, %add3A_96 : vector<16xi32>
      %sub3A_98 = arith.subf %gather3A_73, %gather3A_82 : vector<16xf32>
      tpu.vector_store_idx %arg7[%add3A_97], %sub3A_98 : memref<24576xf32, #tpu.memory_space<vmem>>[vector<16xi32>], vector<16xf32>,
      %add3A_99 = arith.constant 3 : i32
      %add3A_100 = vector.broadcast %add3A_99 : i32 to vector<16xi32>
      %add3A_101 = arith.addi %add3A_86, %add3A_100 : vector<16xi32>
      tpu.vector_store_idx %arg7[%add3A_101], %gather3A_74 : memref<24576xf32, #tpu.memory_space<vmem>>[vector<16xi32>], vector<16xf32>,
      %add3A_102 = arith.constant 4 : i32
      %add3A_103 = vector.broadcast %add3A_102 : i32 to vector<16xi32>
      %add3A_104 = arith.addi %add3A_86, %add3A_103 : vector<16xi32>
      tpu.vector_store_idx %arg7[%add3A_104], %gather3A_78 : memref<24576xf32, #tpu.memory_space<vmem>>[vector<16xi32>], vector<16xf32>,
      %add3A_105 = arith.constant 5 : i32
      %add3A_106 = vector.broadcast %add3A_105 : i32 to vector<16xi32>
      %add3A_107 = arith.addi %add3A_86, %add3A_106 : vector<16xi32>
      tpu.vector_store_idx %arg7[%add3A_107], %gather3A_82 : memref<24576xf32, #tpu.memory_space<vmem>>[vector<16xi32>], vector<16xf32>,
    }
    %scan3A_47 = arith.constant 256 : i32
    %mul3A_48 = arith.constant 4096 : i32
    %mul3A_49 = arith.muli %select_n3A, %mul3A_48 : i32
    %add3A_50 = arith.addi %mul3A_49, %add3A_42 : i32
    %mul3A_51 = arith.constant 16 : i32
    %mul3A_52 = arith.muli %add3A_50, %mul3A_51 : i32
    %mul3A_53 = arith.constant 2 : i32
    %mul3A_54 = arith.muli %mul3A_52, %mul3A_53 : i32
    %mul3A_55 = arith.constant 3 : i32
    %mul3A_56 = arith.muli %mul3A_54, %mul3A_55 : i32
    "tpu.region"() ({
      %run_scoped3A = tpu.sem_alloc : memref<!tpu.dma_semaphore, #tpu.memory_space<semaphore_mem>>
      %dma_start3A = tpu.memref_slice %arg4[%mul3A_56] : memref<786432xf32, #tpu.memory_space<hbm>> -> memref<24576xf32, #tpu.memory_space<hbm>>
      %dma_start3A_57 = tpu.memref_slice %arg4[%mul3A_56] : memref<786432xf32, #tpu.memory_space<hbm>> -> memref<24576xf32, #tpu.memory_space<hbm>>
      tpu.enqueue_dma source(%arg7 : memref<24576xf32, #tpu.memory_space<vmem>>) target(%dma_start3A_57 : memref<24576xf32, #tpu.memory_space<hbm>>) target_semaphore(%run_scoped3A : memref<!tpu.dma_semaphore, #tpu.memory_space<semaphore_mem>>)
      %dma_wait3A = tpu.memref_slice %arg4[%mul3A_56] : memref<786432xf32, #tpu.memory_space<hbm>> -> memref<24576xf32, #tpu.memory_space<hbm>>
      %dma_wait3A_58 = tpu.memref_slice %arg4[%mul3A_56] : memref<786432xf32, #tpu.memory_space<hbm>> -> memref<24576xf32, #tpu.memory_space<hbm>>
      tpu.wait_dma2 semaphore(%run_scoped3A : memref<!tpu.dma_semaphore, #tpu.memory_space<semaphore_mem>>) src(%arg7 : memref<24576xf32, #tpu.memory_space<vmem>>) dst(%dma_wait3A_58 : memref<24576xf32, #tpu.memory_space<hbm>>)
      tpu.yield
    }) : () -> ()
    return
  }
}

#map = affine_map<(d0, d1) -> (0)>
#map1 = affine_map<(d0, d1) -> (0, 0, 0)>
module attributes {stable_mosaic.version = 14 : i64} {
  func.func @body(%arg0: i32, %arg1: i32, %arg2: memref<24576xf32, #tpu.memory_space<hbm>>, %arg3: memref<2x16x4096xi32, #tpu.memory_space<hbm>>, %arg4: memref<786432xf32, #tpu.memory_space<hbm>>, %arg5: memref<12288xf32, #tpu.memory_space<vmem>>, %arg6: memref<16x256xi32, #tpu.memory_space<vmem>>, %arg7: memref<24576xf32, #tpu.memory_space<vmem>>) attributes {dimension_semantics = [#tpu.dimension_semantics<core_parallel>, #tpu.dimension_semantics<subcore_parallel>], iteration_bounds = array<i64: 2, 16>, scalar_prefetch = 0 : i64, scratch_operands = 3 : i64, tpu.core_type = #tpu.core_type<sc_vector_subcore>, window_params = [{transform_indices = #map}, {transform_indices = #map1}, {transform_indices = #map}]} {
    %mul3A = arith.constant 16 : i32
    %mul3A_0 = arith.muli %arg0, %mul3A : i32
    %add3A = arith.addi %mul3A_0, %arg1 : i32
    %jit3A = arith.constant 16 : i32
    %div3A = arith.divsi %add3A, %jit3A : i32
    %sign3A = arith.constant 0 : i32
    %sign3A_1 = arith.cmpi sgt, %add3A, %sign3A : i32
    %sign3A_2 = arith.extui %sign3A_1 : i1 to i32
    %sign3A_3 = arith.constant 0 : i32
    %sign3A_4 = arith.cmpi slt, %add3A, %sign3A_3 : i32
    %sign3A_5 = arith.extui %sign3A_4 : i1 to i32
    %sign3A_6 = arith.subi %sign3A_2, %sign3A_5 : i32
    %sign3A_7 = arith.constant 0 : i32
    %sign3A_8 = arith.cmpi sgt, %jit3A, %sign3A_7 : i32
    %sign3A_9 = arith.extui %sign3A_8 : i1 to i32
    %sign3A_10 = arith.constant 0 : i32
    %sign3A_11 = arith.cmpi slt, %jit3A, %sign3A_10 : i32
    %sign3A_12 = arith.extui %sign3A_11 : i1 to i32
    %sign3A_13 = arith.subi %sign3A_9, %sign3A_12 : i32
    %ne3A = arith.cmpi ne, %sign3A_6, %sign3A_13 : i32
    %rem3A = arith.remsi %add3A, %jit3A : i32
    %ne3A_14 = arith.constant 0 : i32
    %ne3A_15 = arith.cmpi ne, %rem3A, %ne3A_14 : i32
    %and3A = arith.andi %ne3A, %ne3A_15 : i1
    %sub3A = arith.constant 1 : i32
    %sub3A_16 = arith.subi %div3A, %sub3A : i32
    %select_n3A = arith.select %and3A, %sub3A_16, %div3A : i32
    %jit3A_17 = arith.constant 16 : i32
    %eq3A = arith.constant 0 : i32
    %eq3A_18 = arith.cmpi eq, %jit3A_17, %eq3A : i32
    %jit3A_19 = arith.constant 1 : i32
    %select_n3A_20 = arith.select %eq3A_18, %jit3A_19, %jit3A_17 : i32
    %rem3A_21 = arith.remsi %add3A, %select_n3A_20 : i32
    %ne3A_22 = arith.constant 0 : i32
    %ne3A_23 = arith.cmpi ne, %rem3A_21, %ne3A_22 : i32
    %lt3A = arith.constant 0 : i32
    %lt3A_24 = arith.cmpi slt, %rem3A_21, %lt3A : i32
    %lt3A_25 = arith.constant 0 : i32
    %lt3A_26 = arith.cmpi slt, %select_n3A_20, %lt3A_25 : i32
    %ne3A_27 = arith.xori %lt3A_24, %lt3A_26 : i1
    %and3A_28 = arith.andi %ne3A_27, %ne3A_23 : i1
    %add3A_29 = arith.addi %rem3A_21, %select_n3A_20 : i32
    %select_n3A_30 = arith.select %and3A_28, %add3A_29, %rem3A_21 : i32
    %mul3A_31 = arith.constant 4096 : i32
    %mul3A_32 = arith.muli %select_n3A, %mul3A_31 : i32
    %mul3A_33 = arith.constant 3 : i32
    %mul3A_34 = arith.muli %mul3A_32, %mul3A_33 : i32
    "tpu.region"() ({
      %run_scoped3A = tpu.sem_alloc : memref<!tpu.dma_semaphore, #tpu.memory_space<semaphore_mem>>
      %dma_start3A = tpu.memref_slice %arg2[%mul3A_34] : memref<24576xf32, #tpu.memory_space<hbm>> -> memref<12288xf32, #tpu.memory_space<hbm>>
      %dma_start3A_57 = tpu.memref_slice %arg2[%mul3A_34] : memref<24576xf32, #tpu.memory_space<hbm>> -> memref<12288xf32, #tpu.memory_space<hbm>>
      tpu.enqueue_dma source(%dma_start3A_57 : memref<12288xf32, #tpu.memory_space<hbm>>) target(%arg5 : memref<12288xf32, #tpu.memory_space<vmem>>) target_semaphore(%run_scoped3A : memref<!tpu.dma_semaphore, #tpu.memory_space<semaphore_mem>>)
      %dma_wait3A = tpu.memref_slice %arg2[%mul3A_34] : memref<24576xf32, #tpu.memory_space<hbm>> -> memref<12288xf32, #tpu.memory_space<hbm>>
      %dma_wait3A_58 = tpu.memref_slice %arg2[%mul3A_34] : memref<24576xf32, #tpu.memory_space<hbm>> -> memref<12288xf32, #tpu.memory_space<hbm>>
      tpu.wait_dma2 semaphore(%run_scoped3A : memref<!tpu.dma_semaphore, #tpu.memory_space<semaphore_mem>>) src(%dma_wait3A_58 : memref<12288xf32, #tpu.memory_space<hbm>>) dst(%arg5 : memref<12288xf32, #tpu.memory_space<vmem>>)
      tpu.yield
    }) : () -> ()
    %iota3A = tpu.iota {dimensions = array<i32: 0>} : vector<16xi32>
    %mul3A_35 = arith.constant 6 : i32
    %mul3A_36 = vector.broadcast %mul3A_35 : i32 to vector<16xi32>
    %mul3A_37 = arith.muli %iota3A, %mul3A_36 : vector<16xi32>
    %iota3A_38 = tpu.iota {dimensions = array<i32: 0>} : vector<16xi32>
    %mul3A_39 = arith.constant 256 : i32
    %mul3A_40 = arith.muli %select_n3A_30, %mul3A_39 : i32
    %add3A_41 = arith.constant 0 : i32
    %add3A_42 = arith.addi %mul3A_40, %add3A_41 : i32
    "tpu.region"() ({
      %run_scoped3A = tpu.sem_alloc : memref<!tpu.dma_semaphore, #tpu.memory_space<semaphore_mem>>
      %dma_start3A = arith.constant 0 : i32
      %dma_start3A_57 = tpu.memref_slice %arg3[%select_n3A, %dma_start3A, %add3A_42] : memref<2x16x4096xi32, #tpu.memory_space<hbm>> -> memref<1x16x256xi32, #tpu.memory_space<hbm>>
      %dma_start3A_58 = tpu.memref_squeeze %dma_start3A_57 : memref<1x16x256xi32, #tpu.memory_space<hbm>> -> memref<16x256xi32, #tpu.memory_space<hbm>>
      %dma_start3A_59 = arith.constant 0 : i32
      %dma_start3A_60 = tpu.memref_slice %arg3[%select_n3A, %dma_start3A_59, %add3A_42] : memref<2x16x4096xi32, #tpu.memory_space<hbm>> -> memref<1x16x256xi32, #tpu.memory_space<hbm>>
      %dma_start3A_61 = tpu.memref_squeeze %dma_start3A_60 : memref<1x16x256xi32, #tpu.memory_space<hbm>> -> memref<16x256xi32, #tpu.memory_space<hbm>>
      tpu.enqueue_dma source(%dma_start3A_61 : memref<16x256xi32, #tpu.memory_space<hbm>>) target(%arg6 : memref<16x256xi32, #tpu.memory_space<vmem>>) target_semaphore(%run_scoped3A : memref<!tpu.dma_semaphore, #tpu.memory_space<semaphore_mem>>)
      %dma_wait3A = arith.constant 0 : i32
      %dma_wait3A_62 = tpu.memref_slice %arg3[%select_n3A, %dma_wait3A, %add3A_42] : memref<2x16x4096xi32, #tpu.memory_space<hbm>> -> memref<1x16x256xi32, #tpu.memory_space<hbm>>
      %dma_wait3A_63 = tpu.memref_squeeze %dma_wait3A_62 : memref<1x16x256xi32, #tpu.memory_space<hbm>> -> memref<16x256xi32, #tpu.memory_space<hbm>>
      %dma_wait3A_64 = arith.constant 0 : i32
      %dma_wait3A_65 = tpu.memref_slice %arg3[%select_n3A, %dma_wait3A_64, %add3A_42] : memref<2x16x4096xi32, #tpu.memory_space<hbm>> -> memref<1x16x256xi32, #tpu.memory_space<hbm>>
      %dma_wait3A_66 = tpu.memref_squeeze %dma_wait3A_65 : memref<1x16x256xi32, #tpu.memory_space<hbm>> -> memref<16x256xi32, #tpu.memory_space<hbm>>
      tpu.wait_dma2 semaphore(%run_scoped3A : memref<!tpu.dma_semaphore, #tpu.memory_space<semaphore_mem>>) src(%dma_wait3A_66 : memref<16x256xi32, #tpu.memory_space<hbm>>) dst(%arg6 : memref<16x256xi32, #tpu.memory_space<vmem>>)
      tpu.yield
    }) : () -> ()
    %scan3A = arith.constant 0 : i32
    %scan3A_43 = arith.constant 0 : i32
    %scan3A_44 = arith.constant 256 : i32
    %scan3A_45 = arith.addi %scan3A_43, %scan3A_44 : i32
    %scan3A_46 = arith.constant 1 : i32
    scf.for %scan3A_57 = %scan3A_43 to %scan3A_45 step %scan3A_46  : i32 {
      %broadcast_in_dim3A = vector.broadcast %scan3A_57 : i32 to vector<16xi32>
      %gather3A = tpu.vector_load_idx %arg6[%iota3A_38, %broadcast_in_dim3A] : memref<16x256xi32, #tpu.memory_space<vmem>>[vector<16xi32>, vector<16xi32>], vector<16xi32>,
      %mul3A_58 = arith.constant 3 : i32
      %mul3A_59 = vector.broadcast %mul3A_58 : i32 to vector<16xi32>
      %mul3A_60 = arith.muli %gather3A, %mul3A_59 : vector<16xi32>
      %add3A_61 = arith.addi %add3A_42, %scan3A_57 : i32
      %mul3A_62 = arith.constant 3 : i32
      %mul3A_63 = arith.muli %add3A_61, %mul3A_62 : i32
      %broadcast_in_dim3A_64 = vector.broadcast %mul3A_63 : i32 to vector<16xi32>
      %gather3A_65 = tpu.vector_load_idx %arg5[%mul3A_60] : memref<12288xf32, #tpu.memory_space<vmem>>[vector<16xi32>], vector<16xf32>,
      %add3A_66 = arith.constant 1 : i32
      %add3A_67 = vector.broadcast %add3A_66 : i32 to vector<16xi32>
      %add3A_68 = arith.addi %mul3A_60, %add3A_67 : vector<16xi32>
      %gather3A_69 = tpu.vector_load_idx %arg5[%add3A_68] : memref<12288xf32, #tpu.memory_space<vmem>>[vector<16xi32>], vector<16xf32>,
      %add3A_70 = arith.constant 2 : i32
      %add3A_71 = vector.broadcast %add3A_70 : i32 to vector<16xi32>
      %add3A_72 = arith.addi %mul3A_60, %add3A_71 : vector<16xi32>
      %gather3A_73 = tpu.vector_load_idx %arg5[%add3A_72] : memref<12288xf32, #tpu.memory_space<vmem>>[vector<16xi32>], vector<16xf32>,
      %gather3A_74 = tpu.vector_load_idx %arg5[%broadcast_in_dim3A_64] : memref<12288xf32, #tpu.memory_space<vmem>>[vector<16xi32>], vector<16xf32>,
      %add3A_75 = arith.constant 1 : i32
      %add3A_76 = vector.broadcast %add3A_75 : i32 to vector<16xi32>
      %add3A_77 = arith.addi %broadcast_in_dim3A_64, %add3A_76 : vector<16xi32>
      %gather3A_78 = tpu.vector_load_idx %arg5[%add3A_77] : memref<12288xf32, #tpu.memory_space<vmem>>[vector<16xi32>], vector<16xf32>,
      %add3A_79 = arith.constant 2 : i32
      %add3A_80 = vector.broadcast %add3A_79 : i32 to vector<16xi32>
      %add3A_81 = arith.addi %broadcast_in_dim3A_64, %add3A_80 : vector<16xi32>
      %gather3A_82 = tpu.vector_load_idx %arg5[%add3A_81] : memref<12288xf32, #tpu.memory_space<vmem>>[vector<16xi32>], vector<16xf32>,
      %mul3A_83 = arith.constant 96 : i32
      %mul3A_84 = arith.muli %scan3A_57, %mul3A_83 : i32
      %add3A_85 = vector.broadcast %mul3A_84 : i32 to vector<16xi32>
      %add3A_86 = arith.addi %add3A_85, %mul3A_37 : vector<16xi32>
      %add3A_87 = arith.constant 0 : i32
      %add3A_88 = vector.broadcast %add3A_87 : i32 to vector<16xi32>
      %add3A_89 = arith.addi %add3A_86, %add3A_88 : vector<16xi32>
      %sub3A_90 = arith.subf %gather3A_65, %gather3A_74 : vector<16xf32>
      tpu.vector_store_idx %arg7[%add3A_89], %sub3A_90 : memref<24576xf32, #tpu.memory_space<vmem>>[vector<16xi32>], vector<16xf32>,
      %add3A_91 = arith.constant 1 : i32
      %add3A_92 = vector.broadcast %add3A_91 : i32 to vector<16xi32>
      %add3A_93 = arith.addi %add3A_86, %add3A_92 : vector<16xi32>
      %sub3A_94 = arith.subf %gather3A_69, %gather3A_78 : vector<16xf32>
      tpu.vector_store_idx %arg7[%add3A_93], %sub3A_94 : memref<24576xf32, #tpu.memory_space<vmem>>[vector<16xi32>], vector<16xf32>,
      %add3A_95 = arith.constant 2 : i32
      %add3A_96 = vector.broadcast %add3A_95 : i32 to vector<16xi32>
      %add3A_97 = arith.addi %add3A_86, %add3A_96 : vector<16xi32>
      %sub3A_98 = arith.subf %gather3A_73, %gather3A_82 : vector<16xf32>
      tpu.vector_store_idx %arg7[%add3A_97], %sub3A_98 : memref<24576xf32, #tpu.memory_space<vmem>>[vector<16xi32>], vector<16xf32>,
      %add3A_99 = arith.constant 3 : i32
      %add3A_100 = vector.broadcast %add3A_99 : i32 to vector<16xi32>
      %add3A_101 = arith.addi %add3A_86, %add3A_100 : vector<16xi32>
      tpu.vector_store_idx %arg7[%add3A_101], %gather3A_74 : memref<24576xf32, #tpu.memory_space<vmem>>[vector<16xi32>], vector<16xf32>,
      %add3A_102 = arith.constant 4 : i32
      %add3A_103 = vector.broadcast %add3A_102 : i32 to vector<16xi32>
      %add3A_104 = arith.addi %add3A_86, %add3A_103 : vector<16xi32>
      tpu.vector_store_idx %arg7[%add3A_104], %gather3A_78 : memref<24576xf32, #tpu.memory_space<vmem>>[vector<16xi32>], vector<16xf32>,
      %add3A_105 = arith.constant 5 : i32
      %add3A_106 = vector.broadcast %add3A_105 : i32 to vector<16xi32>
      %add3A_107 = arith.addi %add3A_86, %add3A_106 : vector<16xi32>
      tpu.vector_store_idx %arg7[%add3A_107], %gather3A_82 : memref<24576xf32, #tpu.memory_space<vmem>>[vector<16xi32>], vector<16xf32>,
    }
    %scan3A_47 = arith.constant 256 : i32
    %mul3A_48 = arith.constant 4096 : i32
    %mul3A_49 = arith.muli %select_n3A, %mul3A_48 : i32
    %add3A_50 = arith.addi %mul3A_49, %add3A_42 : i32
    %mul3A_51 = arith.constant 16 : i32
    %mul3A_52 = arith.muli %add3A_50, %mul3A_51 : i32
    %mul3A_53 = arith.constant 2 : i32
    %mul3A_54 = arith.muli %mul3A_52, %mul3A_53 : i32
    %mul3A_55 = arith.constant 3 : i32
    %mul3A_56 = arith.muli %mul3A_54, %mul3A_55 : i32
    "tpu.region"() ({
      %run_scoped3A = tpu.sem_alloc : memref<!tpu.dma_semaphore, #tpu.memory_space<semaphore_mem>>
      %dma_start3A = tpu.memref_slice %arg4[%mul3A_56] : memref<786432xf32, #tpu.memory_space<hbm>> -> memref<24576xf32, #tpu.memory_space<hbm>>
      %dma_start3A_57 = tpu.memref_slice %arg4[%mul3A_56] : memref<786432xf32, #tpu.memory_space<hbm>> -> memref<24576xf32, #tpu.memory_space<hbm>>
      tpu.enqueue_dma source(%arg7 : memref<24576xf32, #tpu.memory_space<vmem>>) target(%dma_start3A_57 : memref<24576xf32, #tpu.memory_space<hbm>>) target_semaphore(%run_scoped3A : memref<!tpu.dma_semaphore, #tpu.memory_space<semaphore_mem>>)
      %dma_wait3A = tpu.memref_slice %arg4[%mul3A_56] : memref<786432xf32, #tpu.memory_space<hbm>> -> memref<24576xf32, #tpu.memory_space<hbm>>
      %dma_wait3A_58 = tpu.memref_slice %arg4[%mul3A_56] : memref<786432xf32, #tpu.memory_space<hbm>> -> memref<24576xf32, #tpu.memory_space<hbm>>
      tpu.wait_dma2 semaphore(%run_scoped3A : memref<!tpu.dma_semaphore, #tpu.memory_space<semaphore_mem>>) src(%arg7 : memref<24576xf32, #tpu.memory_space<vmem>>) dst(%dma_wait3A_58 : memref<24576xf32, #tpu.memory_space<hbm>>)
      tpu.yield
    }) : () -> ()
    return
  }
}

module attributes {stable_mosaic.version = 14 : i64} {
  func.func @_topk_body(%arg0: i32, %arg1: i32, %arg2: memref<1x4096x3xf32, #tpu.memory_space<vmem>>, %arg3: memref<1x256x3xf32, #tpu.memory_space<vmem>>, %arg4: memref<1x16x256xi32, #tpu.memory_space<vmem>>) attributes {dimension_semantics = [#tpu.dimension_semantics<arbitrary>, #tpu.dimension_semantics<arbitrary>], iteration_bounds = array<i64: 2, 16>, scalar_prefetch = 0 : i64, scratch_operands = 0 : i64, tpu.core_type = #tpu.core_type<tc>, window_params = [{transform_indices = @transform_0, window_bounds = array<i64: 1, 4096, 3>}, {transform_indices = @transform_1, window_bounds = array<i64: 1, 256, 3>}, {transform_indices = @transform_2, window_bounds = array<i64: 1, 16, 256>}]} {
    %get3A = arith.constant 0 : index
    %get3A_0 = arith.constant 0 : index
    %get3A_1 = arith.constant 0 : index
    %get3A_2 = vector.load %arg2[%get3A, %get3A_0, %get3A_1] : memref<1x4096x3xf32, #tpu.memory_space<vmem>>, vector<1x4096x3xf32>
    %get3A_3 = vector.shape_cast %get3A_2 : vector<1x4096x3xf32> to vector<4096x3xf32>
    %get3A_4 = arith.constant 0 : index
    %get3A_5 = arith.constant 0 : index
    %get3A_6 = arith.constant 0 : index
    %get3A_7 = vector.load %arg3[%get3A_4, %get3A_5, %get3A_6] : memref<1x256x3xf32, #tpu.memory_space<vmem>>, vector<1x256x3xf32>
    %get3A_8 = vector.shape_cast %get3A_7 : vector<1x256x3xf32> to vector<256x3xf32>
    %dot_general3A = arith.constant dense<0.000000e+00> : vector<4096x256xf32>
    %dot_general3A_9 = tpu.matmul %get3A_3, %get3A_8, %dot_general3A {dimension_numbers = #tpu.dot_dimension_numbers<[1], [1], [0], [0], [0, 0, 1, 0], [], []>, transpose_lhs_hint = false} : vector<4096x3xf32>, vector<256x3xf32>, vector<4096x256xf32> -> vector<4096x256xf32>
    %mul3A = arith.mulf %get3A_3, %get3A_3 : vector<4096x3xf32>
    %reduce_sum3A = arith.constant dense<0.000000e+00> : vector<4096xf32>
    %reduce_sum3A_10 = vector.multi_reduction <add>, %mul3A, %reduce_sum3A [1] : vector<4096x3xf32> to vector<4096xf32>
    %broadcast_in_dim3A = vector.shape_cast %reduce_sum3A_10 : vector<4096xf32> to vector<4096x1xf32>
    %mul3A_11 = arith.mulf %get3A_8, %get3A_8 : vector<256x3xf32>
    %reduce_sum3A_12 = arith.constant dense<0.000000e+00> : vector<256xf32>
    %reduce_sum3A_13 = vector.multi_reduction <add>, %mul3A_11, %reduce_sum3A_12 [1] : vector<256x3xf32> to vector<256xf32>
    %broadcast_in_dim3A_14 = vector.shape_cast %reduce_sum3A_13 : vector<256xf32> to vector<1x256xf32>
    %mul3A_15 = arith.constant 2.000000e+00 : f32
    %mul3A_16 = vector.broadcast %mul3A_15 : f32 to vector<4096x256xf32>
    %mul3A_17 = arith.mulf %mul3A_16, %dot_general3A_9 : vector<4096x256xf32>
    %sub3A = vector.broadcast %broadcast_in_dim3A : vector<4096x1xf32> to vector<4096x256xf32>
    %sub3A_18 = arith.subf %sub3A, %mul3A_17 : vector<4096x256xf32>
    %add3A = vector.broadcast %broadcast_in_dim3A_14 : vector<1x256xf32> to vector<4096x256xf32>
    %add3A_19 = arith.addf %sub3A_18, %add3A : vector<4096x256xf32>
    %max3A = arith.constant 0.000000e+00 : f32
    %max3A_20 = vector.broadcast %max3A : f32 to vector<4096x256xf32>
    %max3A_21 = arith.maximumf %add3A_19, %max3A_20 : vector<4096x256xf32>
    %bitcast_convert_type3A = tpu.bitcast %max3A_21 : vector<4096x256xf32> -> vector<4096x256xi32>
    %reshape3A = vector.shape_cast %bitcast_convert_type3A : vector<4096x256xi32> to vector<32x128x256xi32>
    %iota3A = tpu.iota {dimensions = array<i32: 1>} : vector<32x128x256xi32>
    %and3A = arith.constant -128 : i32
    %and3A_22 = vector.broadcast %and3A : i32 to vector<32x128x256xi32>
    %and3A_23 = arith.andi %reshape3A, %and3A_22 : vector<32x128x256xi32>
    %or3A = arith.ori %and3A_23, %iota3A : vector<32x128x256xi32>
    %iota3A_24 = tpu.iota {dimensions = array<i32: 0>} : vector<32x128x256xi32>
    %mul3A_25 = arith.constant 128 : i32
    %mul3A_26 = vector.broadcast %mul3A_25 : i32 to vector<32x128x256xi32>
    %mul3A_27 = arith.muli %iota3A_24, %mul3A_26 : vector<32x128x256xi32>
    %add3A_28 = arith.addi %mul3A_27, %iota3A : vector<32x128x256xi32>
    %iota3A_29 = tpu.iota {dimensions = array<i32: 0>} : vector<32x256xi32>
    %iota3A_30 = tpu.iota {dimensions = array<i32: 0>} : vector<16x256xi32>
    %mul3A_31 = arith.constant 256 : i32
    %mul3A_32 = arith.muli %arg1, %mul3A_31 : i32
    %iota3A_33 = tpu.iota {dimensions = array<i32: 1>} : vector<1x256xi32>
    %add3A_34 = vector.broadcast %mul3A_32 : i32 to vector<1x256xi32>
    %add3A_35 = arith.addi %add3A_34, %iota3A_33 : vector<1x256xi32>
    %reshape3A_36 = vector.shape_cast %add3A_35 : vector<1x256xi32> to vector<1x1x256xi32>
    %eq3A = vector.broadcast %reshape3A_36 : vector<1x1x256xi32> to vector<32x128x256xi32>
    %eq3A_37 = arith.cmpi eq, %add3A_28, %eq3A : vector<32x128x256xi32>
    %jit3A = arith.constant 2147483647 : i32
    %broadcast_in_dim3A_38 = vector.broadcast %jit3A : i32 to vector<32x128x256xi32>
    %select_n3A = arith.select %eq3A_37, %broadcast_in_dim3A_38, %or3A : vector<32x128x256xi1>, vector<32x128x256xi32>
    %broadcast_in_dim3A_39 = arith.constant 0 : i32
    %broadcast_in_dim3A_40 = vector.broadcast %broadcast_in_dim3A_39 : i32 to vector<16x256xi32>
    %scan3A = arith.constant 0 : i32
    %scan3A_41 = arith.constant 16 : i32
    %scan3A_42 = arith.addi %scan3A, %scan3A_41 : i32
    %scan3A_43 = arith.constant 1 : i32
    %scan3A_44:2 = scf.for %scan3A_51 = %scan3A to %scan3A_42 step %scan3A_43 iter_args(%scan3A_52 = %select_n3A, %scan3A_53 = %broadcast_in_dim3A_40) -> (vector<32x128x256xi32>, vector<16x256xi32>)  : i32 {
      %reduce_min3A = arith.constant dense<2147483647> : vector<32x256xi32>
      %reduce_min3A_54 = vector.multi_reduction <minsi>, %scan3A_52, %reduce_min3A [1] : vector<32x128x256xi32> to vector<32x256xi32>
      %reduce_min3A_55 = arith.constant dense<2147483647> : vector<256xi32>
      %reduce_min3A_56 = vector.multi_reduction <minsi>, %reduce_min3A_54, %reduce_min3A_55 [0] : vector<32x256xi32> to vector<256xi32>
      %broadcast_in_dim3A_57 = vector.shape_cast %reduce_min3A_56 : vector<256xi32> to vector<1x256xi32>
      %eq3A_58 = vector.broadcast %broadcast_in_dim3A_57 : vector<1x256xi32> to vector<32x256xi32>
      %eq3A_59 = arith.cmpi eq, %reduce_min3A_54, %eq3A_58 : vector<32x256xi32>
      %jit3A_60 = arith.constant 2147483647 : i32
      %broadcast_in_dim3A_61 = vector.broadcast %jit3A_60 : i32 to vector<32x256xi32>
      %select_n3A_62 = arith.select %eq3A_59, %iota3A_29, %broadcast_in_dim3A_61 : vector<32x256xi1>, vector<32x256xi32>
      %reduce_min3A_63 = arith.constant dense<2147483647> : vector<256xi32>
      %reduce_min3A_64 = vector.multi_reduction <minsi>, %select_n3A_62, %reduce_min3A_63 [0] : vector<32x256xi32> to vector<256xi32>
      %broadcast_in_dim3A_65 = vector.shape_cast %reduce_min3A_64 : vector<256xi32> to vector<1x256xi32>
      %mul3A_66 = arith.constant 128 : i32
      %mul3A_67 = vector.broadcast %mul3A_66 : i32 to vector<1x256xi32>
      %mul3A_68 = arith.muli %broadcast_in_dim3A_65, %mul3A_67 : vector<1x256xi32>
      %and3A_69 = arith.constant 127 : i32
      %and3A_70 = vector.broadcast %and3A_69 : i32 to vector<1x256xi32>
      %and3A_71 = arith.andi %broadcast_in_dim3A_57, %and3A_70 : vector<1x256xi32>
      %add3A_72 = arith.addi %mul3A_68, %and3A_71 : vector<1x256xi32>
      %reshape3A_73 = vector.shape_cast %add3A_72 : vector<1x256xi32> to vector<1x1x256xi32>
      %eq3A_74 = vector.broadcast %reshape3A_73 : vector<1x1x256xi32> to vector<32x128x256xi32>
      %eq3A_75 = arith.cmpi eq, %add3A_28, %eq3A_74 : vector<32x128x256xi32>
      %jit3A_76 = arith.constant 2147483647 : i32
      %broadcast_in_dim3A_77 = vector.broadcast %jit3A_76 : i32 to vector<32x128x256xi32>
      %select_n3A_78 = arith.select %eq3A_75, %broadcast_in_dim3A_77, %scan3A_52 : vector<32x128x256xi1>, vector<32x128x256xi32>
      %eq3A_79 = vector.broadcast %scan3A_51 : i32 to vector<16x256xi32>
      %eq3A_80 = arith.cmpi eq, %iota3A_30, %eq3A_79 : vector<16x256xi32>
      %broadcast_in_dim3A_81 = vector.shape_cast %add3A_72 : vector<1x256xi32> to vector<1x256xi32>
      %broadcast_in_dim3A_82 = vector.broadcast %broadcast_in_dim3A_81 : vector<1x256xi32> to vector<16x256xi32>
      %select_n3A_83 = arith.select %eq3A_80, %broadcast_in_dim3A_82, %scan3A_53 : vector<16x256xi1>, vector<16x256xi32>
      scf.yield %select_n3A_78, %select_n3A_83 : vector<32x128x256xi32>, vector<16x256xi32>
    }
    %scan3A_45 = arith.constant 16 : i32
    %swap3A = arith.constant 0 : index
    %swap3A_46 = arith.constant 0 : index
    %swap3A_47 = arith.constant 0 : index
    %swap3A_48 = vector.load %arg4[%swap3A, %swap3A_46, %swap3A_47] : memref<1x16x256xi32, #tpu.memory_space<vmem>>, vector<1x16x256xi32>
    %swap3A_49 = vector.shape_cast %swap3A_48 : vector<1x16x256xi32> to vector<16x256xi32>
    %swap3A_50 = vector.shape_cast %scan3A_44#1 : vector<16x256xi32> to vector<1x16x256xi32>
    tpu.vector_store %arg4[%swap3A, %swap3A_46, %swap3A_47], %swap3A_50 {strides = array<i32>} : memref<1x16x256xi32, #tpu.memory_space<vmem>>, vector<1x16x256xi32>,
    return
  }
  func.func @transform_0(%arg0: i32, %arg1: i32) -> (i32, i32, i32) {
    %c0_i32 = arith.constant 0 : i32
    %c0_i32_0 = arith.constant 0 : i32
    %c0_i32_1 = arith.constant 0 : i32
    return %arg0, %c0_i32, %c0_i32_0 : i32, i32, i32
  }
  func.func @transform_1(%arg0: i32, %arg1: i32) -> (i32, i32, i32) {
    %c0_i32 = arith.constant 0 : i32
    %c0_i32_0 = arith.constant 0 : i32
    return %arg0, %arg1, %c0_i32 : i32, i32, i32
  }
  func.func @transform_2(%arg0: i32, %arg1: i32) -> (i32, i32, i32) {
    %c0_i32 = arith.constant 0 : i32
    %c0_i32_0 = arith.constant 0 : i32
    return %arg0, %c0_i32, %arg1 : i32, i32, i32
  }
}

</mosaic_0001>

<sc_bundles>
// kernel: kernel.10.cloned.1.call-start
scs
__scs_entry_jumppad:
0x0: {  	(pc) =	sbr.rel $0x88, $3  }
0x1: {  	(tag) =	ssettag $0x0;
	lr =	simm.s32 $0x1  }
0x2: {  	[smem:$0x3FA0] =	sst lr;
	_ =	strace $0xD0000000  }
0x3: {  	_ = 	snop  }
0x4: {  	_ = 	snop  }
0x5: {  	_ = 	snop  }
0x6: {  	_ = 	snop  }
0x7: {  	_ = 	snop  }
__scs_overlays_trampoline_lowered:
0x8: {  	[smem:$0x3FAF] =	sst s0  }
0x9: {  	[smem:$0x3FB0] =	sst s1  }
0xa: {  	[smem:$0x3FB1] =	sst s2  }
0xb: {  	[smem:$0x3FB2] =	sst s3  }
0xc: {  	[smem:$0x3FB3] =	sst s4  }
0xd: {  	[smem:$0x3FB4] =	sst s5  }
0xe: {  	[smem:$0x3FB5] =	sst s6  }
0xf: {  	[smem:$0x3FB6] =	sst s7  }
0x10: {  	[smem:$0x3FB7] =	sst s8  }
0x11: {  	[smem:$0x3FB8] =	sst s9;
	s0 =	simm.s32 @!p0 $0x0  }
0x12: {  	s1 =	sld [smem:$0x3F9E];
	s0 =	simm.s32 @p0 $0x1  }
0x13: {  	[smem:$0x3FB9] =	sst s0;
	s0 =	simm.s32 @!p1 $0x0  }
0x14: {  	s2 =	sld [smem:$0x3F9D];
	s0 =	simm.s32 @p1 $0x1  }
0x15: {  	[smem:$0x3FBA] =	sst s0;
	s0 =	simm.s32 @!p2 $0x0  }
0x16: {  	s3 =	sld [smem:$0x3FDB];
	s0 =	simm.s32 @p2 $0x1  }
0x17: {  	s4 =	simm.s32 $0x1BF5;
	[smem:$0x3FBC] =	sst s0  }
0x18: {  	s0 =	sld [smem:$0x3F9F];
	_ =	swait.ge [sflag:s4], $0x0  }
0x19: {  	s7 =	sld [smem:$0x3FA0]  }
0x1a: {  	s8 =	sadd.s32 $0xFFFFE003, lr  }
0x1b: {  	s9 =	sadd.s32 $0xFFFFFEF7, lr;
	s5 =	simm.s32 $0xFFFFFFFF;
	p2 =	slt.u32 s8, $0xFFFFF086  }
0x1c: {  	p1 =	slt.u32 s9, $0xF7A;
	s5 =	simm.s32 @!p2 $0x0  }
0x1d: {  	s5 =	simm.s32 @p1 $0x1;
	p0 =	seq.s32 s7, s2  }
0x1e: {  	s7 =	smul.u32 @!p0 $0xF7A, s2;
	p2 =	seq.s32 @!p0 s5, $0x0  }
0x1f: {  	s9 =	smul.u32 $0xF7A, s1;
	s8 =	simm.s32 @!p0 $0x1BF5;
	p2 =	por !p2, p0  }
0x20: {  	[sflag:s8] =	ssyncset.s32 @!p0 $0xFFFFF086;
	s6 =	sadd.s32 @!p0 s3, s7;
	s7 =	simm.s32 @!p0 $0x108  }
0x21: {  	s3 =	sadd.s32 s3, s9;
	s6 =	sadd.s32 @!p0 $0x88, s6;
	s7 =	simm.s32 @p2 $0x1082  }
0x22: {  	[simem:s7], [sflag:s8] =	dma.local @!p0 [hbm:s6], $0xF7A  }
0x23: {  	s9 =	sor.u32 $0xD0000000, s2;
	s6 =	simm.s32 $0x108;
	_ =	swait.ge @!p0 [sflag:s8], $0x0  }
0x24: {  	s3 =	sadd.s32 $0x88, s3;
	s6 =	simm.s32 @!p1 $0x1082;
	[sflag:s4] =	ssyncset.s32 $0xFFFFF086  }
0x25: {  	[simem:s6], [sflag:s4] =	dma.local [hbm:s3], $0xF7A  }
0x26: {  	[smem:$0x3FA0] =	sst s1;
	(tag) =	ssettag s2;
	_ =	strace s9  }
0x27: {  	s1 =	sld [smem:$0x3FB0]  }
0x28: {  	s2 =	sld [smem:$0x3FB1]  }
0x29: {  	s4 =	sld [smem:$0x3FB3]  }
0x2a: {  	p0 =	seq.s32 s5, $0x0;
	s5 =	sld [smem:$0x3FB4]  }
0x2b: {  	s6 =	sld [smem:$0x3FB5]  }
0x2c: {  	s7 =	sld [smem:$0x3FB6]  }
0x2d: {  	s3 =	simm.s32 $0x108;
	s8 =	sld [smem:$0x3FB7]  }
0x2e: {  	s3 =	simm.s32 @!p0 $0x1082;
	s9 =	sld [smem:$0x3FB8]  }
0x2f: {  	lr =	sadd.s32 s0, s3;
	s0 =	sld [smem:$0x3FAF]  }
0x30: {  	s3 =	sld [smem:$0x3FB2]  }
0x31: {  	[smem:$0x3FBB] =	sst s10  }
0x32: {  	s10 =	sld [smem:$0x3FB9];
	_ =	sdelay $0x3  }
0x33: {  	p0 =	seq.s32 s10, $0x1;
	s10 =	sld [smem:$0x3FBB];
	_ =	sdelay $0x3  }
0x34: {  	[smem:$0x3FBB] =	sst s10  }
0x35: {  	s10 =	sld [smem:$0x3FBA];
	_ =	sdelay $0x3  }
0x36: {  	p1 =	seq.s32 s10, $0x1;
	s10 =	sld [smem:$0x3FBB];
	_ =	sdelay $0x3  }
0x37: {  	[smem:$0x3FBB] =	sst s10  }
0x38: {  	s10 =	sld [smem:$0x3FBC]  }
0x39: {  	_ = 	snop;
	(pc) =	sbr.ind lr, $3  }
0x3a: {  	_ = 	snop  }
0x3b: {  	_ = 	snop  }
0x3c: {  	p2 =	seq.s32 s10, $0x1;
	s10 =	sld [smem:$0x3FBB]  }
0x3d: {  	_ =	shalt  }
0x3e: {  	_ =	shalt  }
0x3f: {  	_ =	shalt  }
0x40: {  	_ =	shalt  }
0x41: {  	_ =	shalt  }
0x42: {  	_ =	shalt  }
0x43: {  	_ =	shalt  }
0x44: {  	_ =	shalt  }
0x45: {  	_ =	shalt  }
0x46: {  	_ =	shalt  }
0x47: {  	_ =	shalt  }
0x48: {  	_ =	shalt  }
0x49: {  	_ =	shalt  }
0x4a: {  	_ =	shalt  }
0x4b: {  	_ =	shalt  }
0x4c: {  	_ =	shalt  }
0x4d: {  	_ =	shalt  }
0x4e: {  	_ =	shalt  }
0x4f: {  	_ =	shalt  }
0x50: {  	_ =	shalt  }
0x51: {  	_ =	shalt  }
0x52: {  	_ =	shalt  }
0x53: {  	_ =	shalt  }
0x54: {  	_ =	shalt  }
0x55: {  	_ =	shalt  }
0x56: {  	_ =	shalt  }
0x57: {  	_ =	shalt  }
0x58: {  	_ =	shalt  }
0x59: {  	_ =	shalt  }
0x5a: {  	_ =	shalt  }
0x5b: {  	_ =	shalt  }
0x5c: {  	_ =	shalt  }
0x5d: {  	_ =	shalt  }
0x5e: {  	_ =	shalt  }
0x5f: {  	_ =	shalt  }
0x60: {  	_ =	shalt  }
0x61: {  	_ =	shalt  }
0x62: {  	_ =	shalt  }
0x63: {  	_ =	shalt  }
0x64: {  	_ =	shalt  }
0x65: {  	_ =	shalt  }
0x66: {  	_ =	shalt  }
0x67: {  	_ =	shalt  }
0x68: {  	_ =	shalt  }
0x69: {  	_ =	shalt  }
0x6a: {  	_ =	shalt  }
0x6b: {  	_ =	shalt  }
0x6c: {  	_ =	shalt  }
0x6d: {  	_ =	shalt  }
0x6e: {  	_ =	shalt  }
0x6f: {  	_ =	shalt  }
0x70: {  	_ =	shalt  }
0x71: {  	_ =	shalt  }
0x72: {  	_ =	shalt  }
0x73: {  	_ =	shalt  }
0x74: {  	_ =	shalt  }
0x75: {  	_ =	shalt  }
0x76: {  	_ =	shalt  }
0x77: {  	_ =	shalt  }
0x78: {  	_ =	shalt  }
0x79: {  	_ =	shalt  }
0x7a: {  	_ =	shalt  }
0x7b: {  	_ =	shalt  }
0x7c: {  	_ =	shalt  }
0x7d: {  	_ =	shalt  }
0x7e: {  	_ =	shalt  }
0x7f: {  	_ =	shalt  }
0x80: {  	_ =	shalt  }
0x81: {  	_ =	shalt  }
0x82: {  	_ =	shalt  }
0x83: {  	_ =	shalt  }
0x84: {  	_ =	shalt  }
0x85: {  	_ =	shalt  }
0x86: {  	_ =	shalt  }
0x87: {  	_ =	shalt  }
.Lfunc_end0:
.L_simem_size_0:
called_computation_lowered:
.L_overlay_start_0:
0x88: {  	s2 =	sld [smem:$0x3FD9]  }
0x89: {  	s3 =	sld [smem:$0x3FFE];
	_ =	sdelay $0x1  }
0x8a: {  	s1 =	srdreg.scid  }
0x8b: {  	s0 =	sand.u32 $0x1, s1  }
0x8c: {  	s17 =	sshll.u32 s0, $0xA;
	s2 =	sadd.s32 s3, s2  }
0x8d: {  	s2 =	sadd.s32 s2, s17  }
0x8e: {  	[smem:$0x3FC7] =	sst s2  }
0x8f: {  	_ = 	snop  }
0x90: {  	s18 =	sld [smem:$0x3FD0];
	(tm) =	ssettm $0x1  }
0x91: {  	s19 =	sld [smem:$0x3FFB];
	_ =	sdelay $0x3  }
0x92: {  	_ =	strace s19  }
0x93: {  	s2 =	sld [smem:$0x3FFC];
	_ =	sdelay $0x3  }
0x94: {  	_ =	strace s2  }
0x95: {  	s2 =	sld [smem:$0x3FFD];
	_ =	sdelay $0x3  }
0x96: {  	_ =	strace s2  }
0x97: {  	_ =	strace $0x8FFFFFFF  }
0x98: {  	s20 =	sld [smem:$0x3FDB];
	_ =	sdelay $0x1  }
0x99: {  	s4 =	simm.s32 $_scs_section_size  }
0x9a: {  	s5 =	simm.s32 $_size__tile_overlayer_lowered;
	s6 =	simm.s32 $_tile_overlayer_lowered  }
0x9b: {  	s7 =	simm.s32 $0x1BFF;
	s21 =	sshll.u32 s6, $0x1;
	s4 =	sadd.s32 s4, s20  }
0x9c: {  	s22 =	simm.s32 $0x0;
	s5 =	sshll.u32 s5, $0x1;
	s6 =	sadd.s32 s21, s4  }
0x9d: {  	[timem:s22], [sflag:s7] =	dma.local [hbm:s6], s5  }
0x9e: {  	_ =	swait.ge [sflag:s7], s5  }
0x9f: {  	s5 =	ssub.s32 $0x0, s5;
	[sflag:s7] =	ssyncset.done $0x0  }
0xa0: {  	[sflag:s7] =	ssyncadd.s32 s5;
	_ =	sdelay $0x1  }
0xa1: {  	s23 =	simm.s32 $0x1B8B  }
0xa2: {  	_ =	swait.ge [sflag:s23], $0x1  }
0xa3: {  	[sflag:s23] =	ssyncset.done $0x0  }
0xa4: {  	[sflag:s23] =	ssyncadd.s32 $0xFFFFFFFF  }
0xa5: {  	s5 =	sld [smem:$0x0]  }
0xa6: {  	s6 =	sand.u32 $0xFFFFFFFE, s1  }
0xa7: {  	p0 =	sne.s32 s1, s6  }
0xa8: {  	s6 =	sshll.u32 @p0 s6, $0xE  }
0xa9: {  	s6 =	sadd.s32 @p0 $0x11B8D, s6;
	s7 =	sshll.u32 @p0 s5, $0x11  }
0xaa: {  	s6 =	sor.u32 @p0 s7, s6  }
0xab: {  	[sflag:s6] =	ssyncadd.remote.s32 @p0 $0x1;
	_ =	sdelay $0x1  }
0xac: {  	s6 =	simm.s32 @p0 $0x1B8D  }
0xad: {  	_ =	swait.eq @p0 [sflag:s6], $0x1  }
0xae: {  	[sflag:s6] =	ssyncadd.s32 @p0 $0xFFFFFFFF  }
0xaf: {  	s7 =	sshll.u32 @!p0 s1, $0xE  }
0xb0: {  	s7 =	sor.u32 @!p0 $0x4000, s7;
	s6 =	simm.s32 @!p0 $0x1B8D  }
0xb1: {  	s5 =	sshll.u32 @!p0 s5, $0x11;
	s7 =	sadd.s32 @!p0 $0x11B8D, s7;
	_ =	swait.eq @!p0 [sflag:s6], $0x1  }
0xb2: {  	s5 =	sor.u32 @!p0 s5, s7;
	[sflag:s6] =	ssyncadd.s32 @!p0 $0xFFFFFFFF  }
0xb3: {  	s25 =	simm.s32 $0x1B8E;
	s24 =	sld [smem:$0x3FFE];
	[sflag:s5] =	ssyncadd.remote.s32 @!p0 $0x1  }
0xb4: {  	s26 =	simm.s32 $execute0_lowered;
	[smem:$0x3FD2] =	sst s25  }
0xb5: {  	s6 =	sshll.u32 s26, $0x1;
	_ =	strace $0x8000004F;
	[dreg:$0x1] =	wrdreg $0xFFFFFFFF  }
0xb6: {  	s28 =	simm.s32 $_size_execute0_lowered;
	s4 =	sadd.s32 s4, s6;
	[dreg:$0x0] =	wrdreg $0x0  }
0xb7: {  	s6 =	sshll.u32 s28, $0x1;
	[dreg:$0x2] =	wrdreg s4  }
0xb8: {  	[dreg:$0x3] =	wrdreg s6  }
0xb9: {  	[dreg:$0x4] =	wrdreg $0xC0  }
0xba: {  	_ =	task [dreg:s22], $0x5FFFF  }
0xbb: {  	[dreg:$0x1] =	wrdreg $0xFFFFFFFF  }
0xbc: {  	[dreg:$0x0] =	wrdreg $0x60  }
0xbd: {  	[dreg:$0x2] =	wrdreg s24  }
0xbe: {  	[dreg:$0x3] =	wrdreg s18  }
0xbf: {  	[dreg:$0x4] =	wrdreg $0x9  }
0xc0: {  	_ =	task.clear_ibuf [dreg:s22], $0x5FFFF;
	_ =	strace $0x9000004F  }
0xc1: {  	s29 =	simm.s32 $0x9;
	_ =	strace $0x80000051  }
0xc2: {  	_ =	swait.ge [sflag:s29], $0x1  }
0xc3: {  	[sflag:s29] =	ssyncadd.s32 $0xFFFFFFFF  }
0xc4: {  	_ =	strace $0x90000051  }
0xc5: {  	_ =	sfence  }
0xc6: {  	s30 =	sld [smem:$0x0];
	_ =	sdelay $0x2  }
0xc7: {  	s31 =	sshll.u32 s1, $0xD;
	s1 =	sshrl.u32 s1, $0x2  }
0xc8: {  	s4 =	sand.u32 $0x4000, s31;
	s1 =	sadd.s32 s1, s30  }
0xc9: {  	s0 =	sor.u32 s4, s0;
	s1 =	sshll.u32 s1, $0x11  }
0xca: {  	s0 =	sor.u32 s1, s0  }
0xcb: {  	s0 =	sadd.s32 $0x8F2B, s0  }
0xcc: {  	[sflag:s0] =	ssyncadd.remote.s32 $0x1  }
0xcd: {  	_ =	sfence.sel $0xFFFF  }
0xce: {  	[dreg:$0x0] =	wrdreg $0xFFFFFFFF;
	(pc) =	sbr.abs _section_cstart, $3  }
0xcf: {  	[dreg:$0x1] =	wrdreg $0xFFFFFFFF  }
0xd0: {  	_ =	task.clear_ibuf [dreg:s22], $0x2FFFF;
	_ =	strace $0x9FFFFFFF  }
0xd1: {  	(tm) =	ssettm $0x7FFFFFFF  }
tec
execute0_lowered:
.L_overlay_start_1:
0x0: {  	(tag) =	ssettag $0x1  }
0x1: {  	v0 =	vimm.s32 $0xB80;
	vm0 =	vcmask $0x300  }
0x2: {  	vm14 =	vcmask $0x704;
	v0 =	vsel vm0, $0x0, v0  }
0x3: {  	s0 =	srdreg.scid;
	vm15 =	vcmask $0xB08;
	v0 =	vsel vm14, $0x80, v0  }
0x4: {  	s7 =	stileid.u32;
	vm4 =	vcmask $0xF0C;
	s4 =	rddreg [dreg:$0x0];
	s3 =	sand.u32 $0x1, s0;
	v0 =	vsel vm15, $0x100, v0  }
0x5: {  	s2 =	simm.s32 $0x1;
	vm5 =	vcmask $0x1310;
	s5 =	rddreg [dreg:$0x1];
	s0 =	sor.u32 s7, s3;
	v0 =	vsel vm4, $0x180, v0  }
0x6: {  	vm6 =	vcmask $0x1714;
	s1 =	simm.s32 $0x0;
	p0 =	sne.s32 s7, $0x0;
	p1 =	seq.s32 s0, $0x0;
	v0 =	vsel vm5, $0x200, v0  }
0x7: {  	vm7 =	vcmask $0x1B18;
	s12 =	simm.s32 $0x0;
	[smem:$0x7FF] =	sst s1;
	p1 =	por !p0, !p1;
	v0 =	vsel vm6, $0x280, v0  }
0x8: {  	vm8 =	vcmask $0x1F1C;
	s9 =	sshll.u32 s7, $0x8;
	s7 =	smul.u32 $0x300, s7;
	p1 =	por !p1, !p1;
	v0 =	vsel vm7, $0x300, v0  }
0x9: {  	vm9 =	vcmask $0x2320;
	s0 =	rddreg [dreg:$0x2];
	_ =	strace $0x80000050;
	s2 =	simm.s32 @!p1 $0x0;
	v0 =	vsel vm8, $0x380, v0  }
0xa: {  	vm10 =	vcmask $0x2724;
	s6 =	ssub.s32 s3, s2;
	s2 =	simm.s32 $0x1;
	s3 =	ssub.s32 $0x2, s3;
	v0 =	vsel vm9, $0x800, v0  }
0xb: {  	vm11 =	vcmask $0x2B28;
	s8 =	smul.u32 $0x3000, s6;
	s10 =	sshll.u32 s6, $0xC;
	s11 =	sshrl.u32 s3, $0x1;
	v0 =	vsel vm10, $0x880, v0  }
0xc: {  	vm12 =	vcmask $0x2F2C;
	s6 =	sshll.u32 s6, $0xD;
	s10 =	sor.u32 s9, s10;
	s30 =	ssub.s32 s3, s11;
	v0 =	vsel vm11, $0x900, v0  }
0xd: {  	vm13 =	vcmask $0x3330;
	v1 =	vlaneseq.u32;
	s6 =	sand.u32 $0x1FFFE000, s6;
	s11 =	simm.s32 $0x4000;
	s8 =	sshrl.u32 s8, $0x3;
	v0 =	vsel vm12, $0x980, v0  }
0xe: {  	vm14 =	vcmask $0x3734;
	s10 =	smul.u32 $0x60, s10;
	s8 =	sadd.s32 s8, s4;
	s4 =	sadd.s32 s9, s4;
	v2 =	vsel vm13, $0xA00, v0;
	v0 =	vmul.u32 $0x6, v1  }
0xf: {  	vm15 =	vcmask $0x3B38;
	s9 =	simm.s32 $0x8000;
	s3 =	sadd.s32 $0x57E00, s8;
	s4 =	sadd.s32 s6, s4;
	v1 =	vsel vm14, $0xA80, v2  }
0x10: {  	s31 =	sshrl.u32 s10, $0x3;
	s6 =	smax.u32 s30, $0x1;
	s8 =	simm.s32 $0x800;
	v1 =	vsel vm15, $0xB00, v1;
	v2 =	vor.u32 $0x1, v0;
	v3 =	vadd.s32 $0x2, v0  }
0x11: {  	s10 =	simm.s32 $0x3000;
	s4 =	sadd.s32 $0x58A00, s4;
	s5 =	sadd.s32 s5, s31;
	v4 =	vadd.s32 $0x3, v0;
	v5 =	vadd.s32 $0x4, v0;
	v6 =	vadd.s32 $0x5, v0  }
.LBB2_1:
0x12: {  	v7 =	vmov s1  }
0x13: {  	[tilespmem:s1], [sflag:$0x1] =	stream.linear.gather [hbm4b:s3+s1], $0x3000, $0x38;
	v8 =	vshll.u32 v7, $0x3;
	[tilespmem:$0xA000] =	vst v63  }
0x14: {  	_ =	swait.ge [sflag:s2], $0x3000;
	v7 =	vand.u32 $0x7F, v7;
	v8 =	vand.u32 $0x400, v8  }
0x15: {  	[sflag:s2] =	ssyncset.done $0x0;
	v7 =	vor.u32 v8, v7  }
0x16: {  	[sflag:s2] =	ssyncadd.s32 $0xFFFFD000;
	v7 =	vor.u32 v1, v7  }
0x17: {  	[tilespmem:s10], [sflag:$0x1] =	stream.strided.gather [hbm4b:s4+s8], $0x1000, s9, s8, $0x38;
	[tilespmem:$0xA000] =	vst v63  }
0x18: {  	_ =	swait.ge [sflag:s2], $0x1000  }
0x19: {  	[sflag:s2] =	ssyncset.done $0x0  }
0x1a: {  	[sflag:s2] =	ssyncadd.s32 $0xFFFFF000  }
0x1b: {  	v7 =	vld.idx.msk [tilespmem:v7+s10+$0x0], $0xffff;
	_ =	sdelay $0x2  }
0x1c: {  	v8 =	vmov s7  }
0x1d: {  	v10 =	vadd.s32 $0x1, v8  }
0x1e: {  	v9 =	vadd.s32 $0x2, v8;
	v11 =	vmul.u32 $0x3, v7;
	_ =	sdelay $0x1  }
0x1f: {  	v12 =	vadd.s32 $0x1, v11  }
0x20: {  	v8 =	vld.idx.msk [tilespmem:v8+s1+$0x0], $0xffff;
	v13 =	vadd.s32 $0x2, v11  }
0x21: {  	v10 =	vld.idx.msk [tilespmem:v10+s1+$0x0], $0xffff  }
0x22: {  	v7 =	vld.idx.msk [tilespmem:v9+s1+$0x0], $0xffff  }
0x23: {  	v9 =	vld.idx.msk [tilespmem:v11+s1+$0x0], $0xffff  }
0x24: {  	v11 =	vld.idx.msk [tilespmem:v12+s1+$0x0], $0xffff  }
0x25: {  	v62 =	vadd.s32 s1, v0;
	v61 =	vld.idx.msk [tilespmem:v13+s1+$0x0], $0xffff  }
0x26: {  	v14 =	vadd.s32 s1, v2  }
0x27: {  	v15 =	vadd.s32 s1, v3  }
0x28: {  	v16 =	vadd.s32 s1, v4;
	s13 =	simm.s32 $0x1;
	v9 =	vsub.f32 v9, v8  }
0x29: {  	v18 =	vmov s13;
	v11 =	vsub.f32 v11, v10  }
0x2a: {  	v17 =	vadd.s32 s1, v5;
	v63 =	vshll.u32 v18, $0x3;
	[tilespmem:v62+s11+$0x0] =	vst.idx.msk $0xffff, v9;
	v9 =	vsub.f32 v61, v7  }
0x2b: {  	v12 =	vand.u32 $0x400, v63;
	[tilespmem:v14+s11+$0x0] =	vst.idx.msk $0xffff, v11;
	v11 =	vand.u32 $0x7F, v18  }
0x2c: {  	[tilespmem:v15+s11+$0x0] =	vst.idx.msk $0xffff, v9;
	v11 =	vor.u32 v12, v11;
	v9 =	vadd.s32 s1, v6  }
0x2d: {  	[tilespmem:v16+s11+$0x0] =	vst.idx.msk $0xffff, v8;
	v8 =	vor.u32 v1, v11;
	_ =	sdelay $0x1  }
0x2e: {  	s15 =	simm.s32 $0x2;
	s14 =	smov.u32 s7;
	s13 =	simm.s32 $0x0;
	[tilespmem:v17+s11+$0x0] =	vst.idx.msk $0xffff, v10  }
.LBB2_2:
0x2f: {  	s13 =	sadd.s32 $0x60, s13  }
0x30: {  	[tilespmem:v9+s11+$0x0] =	vst.idx.msk $0xffff, v7;
	s14 =	sadd.s32 $0x3, s14;
	s16 =	smov.u32 s15;
	s17 =	sadd.s32 $0x1, s15  }
0x31: {  	p1 =	sne.s32 s15, $0xFF;
	v7 =	vld.idx.msk [tilespmem:v8+s10+$0x0], $0xffff;
	_ =	sdelay $0x2  }
0x32: {  	v8 =	vmov s14  }
0x33: {  	v9 =	vadd.s32 $0x2, v8  }
0x34: {  	v10 =	vadd.s32 $0x1, v8  }
0x35: {  	v11 =	vmul.u32 $0x3, v7;
	_ =	sdelay $0x1  }
0x36: {  	v12 =	vadd.s32 $0x1, v11;
	v13 =	vadd.s32 $0x2, v11  }
0x37: {  	v7 =	vld.idx.msk [tilespmem:v9+s1+$0x0], $0xffff  }
0x38: {  	v10 =	vld.idx.msk [tilespmem:v10+s1+$0x0], $0xffff  }
0x39: {  	v14 =	vld.idx.msk [tilespmem:v8+s1+$0x0], $0xffff  }
0x3a: {  	v8 =	vld.idx.msk [tilespmem:v11+s1+$0x0], $0xffff  }
0x3b: {  	v9 =	vld.idx.msk [tilespmem:v12+s1+$0x0], $0xffff  }
0x3c: {  	v11 =	vld.idx.msk [tilespmem:v13+s1+$0x0], $0xffff  }
0x3d: {  	v12 =	vadd.s32 s13, v0  }
0x3e: {  	v13 =	vadd.s32 s13, v2  }
0x3f: {  	v15 =	vmov s16;
	v16 =	vadd.s32 s13, v3;
	v17 =	vadd.s32 s13, v5  }
0x40: {  	v19 =	vadd.s32 s13, v4;
	v18 =	vshll.u32 v15, $0x3;
	v8 =	vsub.f32 v8, v14  }
0x41: {  	v15 =	vand.u32 $0x7F, v15;
	v18 =	vand.u32 $0x400, v18;
	v20 =	vsub.f32 v9, v10  }
.Ltmp0:
0x42: {  	v15 =	vor.u32 v18, v15;
	v9 =	vadd.s32 s13, v6;
	v11 =	vsub.f32 v11, v7;
	[tilespmem:v12+s11+$0x0] =	vst.idx.msk $0xffff, v8;
	(pc) =	sbr.rel @p1 .LBB2_2-.Ltmp0, $4  }
0x43: {  	v8 =	vor.u32 v1, v15;
	[tilespmem:v13+s11+$0x0] =	vst.idx.msk $0xffff, v20  }
0x44: {  	[tilespmem:v16+s11+$0x0] =	vst.idx.msk $0xffff, v11  }
0x45: {  	[tilespmem:v19+s11+$0x0] =	vst.idx.msk $0xffff, v14  }
0x46: {  	s15 =	smov.u32 s17;
	[tilespmem:v17+s11+$0x0] =	vst.idx.msk $0xffff, v10  }
0x47: {  	_ =	sdelay $0x3  }
0x48: {  	[tilespmem:v9+s11+$0x0] =	vst.idx.msk $0xffff, v7  }
0x49: {  	v7 =	vld.idx.msk [tilespmem:v8+s10+$0x0], $0xffff;
	_ =	sdelay $0x1  }
0x4a: {  	s14 =	sadd.s32 $0x3, s14  }
0x4b: {  	v8 =	vmov s14  }
0x4c: {  	v62 =	vadd.s32 $0x2, v8  }
0x4d: {  	v10 =	vadd.s32 $0x1, v8;
	v7 =	vmul.u32 $0x3, v7;
	_ =	sdelay $0x1  }
0x4e: {  	v11 =	vadd.s32 $0x1, v7  }
0x4f: {  	v8 =	vld.idx.msk [tilespmem:v8+s1+$0x0], $0xffff;
	v12 =	vadd.s32 $0x2, v7  }
0x50: {  	v9 =	vld.idx.msk [tilespmem:v62+s1+$0x0], $0xffff  }
0x51: {  	v10 =	vld.idx.msk [tilespmem:v10+s1+$0x0], $0xffff  }
0x52: {  	v7 =	vld.idx.msk [tilespmem:v7+s1+$0x0], $0xffff  }
0x53: {  	s13 =	sadd.s32 $0x60, s13;
	v11 =	vld.idx.msk [tilespmem:v11+s1+$0x0], $0xffff  }
0x54: {  	v13 =	vadd.s32 s13, v0;
	v12 =	vld.idx.msk [tilespmem:v12+s1+$0x0], $0xffff  }
0x55: {  	v14 =	vadd.s32 s13, v2  }
0x56: {  	v15 =	vadd.s32 s13, v3  }
0x57: {  	v16 =	vadd.s32 s13, v4;
	v7 =	vsub.f32 v7, v8  }
0x58: {  	v17 =	vadd.s32 s13, v5;
	v11 =	vsub.f32 v11, v10  }
0x59: {  	v63 =	vadd.s32 s13, v6;
	[tilespmem:v13+s11+$0x0] =	vst.idx.msk $0xffff, v7;
	v7 =	vsub.f32 v12, v9  }
0x5a: {  	[tilespmem:v14+s11+$0x0] =	vst.idx.msk $0xffff, v11  }
0x5b: {  	[tilespmem:v15+s11+$0x0] =	vst.idx.msk $0xffff, v7  }
0x5c: {  	s12 =	sadd.s32 $0x1, s12;
	[tilespmem:v16+s11+$0x0] =	vst.idx.msk $0xffff, v8  }
0x5d: {  	p1 =	sne.s32 s12, s6;
	[tilespmem:v17+s11+$0x0] =	vst.idx.msk $0xffff, v10  }
.Ltmp1:
0x5e: {  	[tilespmem:v63+s11+$0x0] =	vst.idx.msk $0xffff, v9;
	(pc) =	sbr.rel @p1 .LBB2_1-.Ltmp1, $4  }
0x5f: {  	[hbm4b:s5+s1] =	stream.linear.scatter [tilespmem:s11], [sflag:$0x1], $0x6000, $0x38;
	[tilespmem:$0xA000] =	vst v63  }
0x60: {  	_ =	swait.ge [sflag:s2], $0x6000  }
0x61: {  	[sflag:s2] =	ssyncset.done $0x0  }
0x62: {  	[sflag:s2] =	ssyncadd.s32 $0xFFFFA000  }
0x63: {  	_ =	sfence.sel $0x180000  }
0x64: {  	[bflag:$0x0] =	sbarrier.arrive $0xFFFF  }
0x65: {  	_ =	strace $0x90000050  }
0x66: {  	s0 =	sadd.s32 @!p0 $0x100000, s0;
	[bflag:$0x2] =	sbarrier.arrive $0xFFFF  }
0x67: {  	[sflag:s0] =	ssyncadd.tile.s32 @!p0 $0x1;
	_ =	shalt  }
.Lfunc_end2:
_tile_overlayer_lowered:
.L_overlay_start_2:
0x68: {  	(tag) =	ssettag $0x2  }
0x69: {  	s0 =	rddreg [dreg:$0x0];
	s2 =	stileid.u32  }
0x6a: {  	s1 =	rddreg [dreg:$0x1];
	p0 =	sne.s32 s2, $0x0  }
0x6b: {  	s3 =	rddreg [dreg:$0x2];
	[bflag:$0x3] =	sbarrier.arrive $0xFFFF;
	s2 =	simm.s32 @!p0 $0x1C01  }
0x6c: {  	[timem:s3], [sflag:s2] =	dma.local @!p0 [hbm:s0], s1  }
0x6d: {  	s0 =	simm.s32 @!p0 $0x1  }
0x6e: {  	_ =	swait.ge @!p0 [sflag:s0], s1  }
0x6f: {  	s1 =	ssub.s32 @!p0 $0x0, s1;
	[sflag:s0] =	ssyncset.done @!p0 $0x0  }
0x70: {  	[sflag:s0] =	ssyncadd.s32 @!p0 s1  }
0x71: {  	[bflag:$0x3] =	sbarrier.arrive $0xFFFF  }
0x72: {  	_ =	shalt  }

// kernel: kernel.13.cloned.1.call-start
scs
__scs_entry_jumppad:
0x0: {  	(pc) =	sbr.rel $0x88, $3  }
0x1: {  	(tag) =	ssettag $0x0;
	lr =	simm.s32 $0x1  }
0x2: {  	[smem:$0x3FA0] =	sst lr;
	_ =	strace $0xD0000000  }
0x3: {  	_ = 	snop  }
0x4: {  	_ = 	snop  }
0x5: {  	_ = 	snop  }
0x6: {  	_ = 	snop  }
0x7: {  	_ = 	snop  }
__scs_overlays_trampoline_lowered:
0x8: {  	[smem:$0x3FAF] =	sst s0  }
0x9: {  	[smem:$0x3FB0] =	sst s1  }
0xa: {  	[smem:$0x3FB1] =	sst s2  }
0xb: {  	[smem:$0x3FB2] =	sst s3  }
0xc: {  	[smem:$0x3FB3] =	sst s4  }
0xd: {  	[smem:$0x3FB4] =	sst s5  }
0xe: {  	[smem:$0x3FB5] =	sst s6  }
0xf: {  	[smem:$0x3FB6] =	sst s7  }
0x10: {  	[smem:$0x3FB7] =	sst s8  }
0x11: {  	[smem:$0x3FB8] =	sst s9;
	s0 =	simm.s32 @!p0 $0x0  }
0x12: {  	s1 =	sld [smem:$0x3F9E];
	s0 =	simm.s32 @p0 $0x1  }
0x13: {  	[smem:$0x3FB9] =	sst s0;
	s0 =	simm.s32 @!p1 $0x0  }
0x14: {  	s2 =	sld [smem:$0x3F9D];
	s0 =	simm.s32 @p1 $0x1  }
0x15: {  	[smem:$0x3FBA] =	sst s0;
	s0 =	simm.s32 @!p2 $0x0  }
0x16: {  	s3 =	sld [smem:$0x3FDB];
	s0 =	simm.s32 @p2 $0x1  }
0x17: {  	s4 =	simm.s32 $0x1BF5;
	[smem:$0x3FBC] =	sst s0  }
0x18: {  	s0 =	sld [smem:$0x3F9F];
	_ =	swait.ge [sflag:s4], $0x0  }
0x19: {  	s7 =	sld [smem:$0x3FA0]  }
0x1a: {  	s8 =	sadd.s32 $0xFFFFE003, lr  }
0x1b: {  	s9 =	sadd.s32 $0xFFFFFEF7, lr;
	s5 =	simm.s32 $0xFFFFFFFF;
	p2 =	slt.u32 s8, $0xFFFFF086  }
0x1c: {  	p1 =	slt.u32 s9, $0xF7A;
	s5 =	simm.s32 @!p2 $0x0  }
0x1d: {  	s5 =	simm.s32 @p1 $0x1;
	p0 =	seq.s32 s7, s2  }
0x1e: {  	s7 =	smul.u32 @!p0 $0xF7A, s2;
	p2 =	seq.s32 @!p0 s5, $0x0  }
0x1f: {  	s9 =	smul.u32 $0xF7A, s1;
	s8 =	simm.s32 @!p0 $0x1BF5;
	p2 =	por !p2, p0  }
0x20: {  	[sflag:s8] =	ssyncset.s32 @!p0 $0xFFFFF086;
	s6 =	sadd.s32 @!p0 s3, s7;
	s7 =	simm.s32 @!p0 $0x108  }
0x21: {  	s3 =	sadd.s32 s3, s9;
	s6 =	sadd.s32 @!p0 $0x88, s6;
	s7 =	simm.s32 @p2 $0x1082  }
0x22: {  	[simem:s7], [sflag:s8] =	dma.local @!p0 [hbm:s6], $0xF7A  }
0x23: {  	s9 =	sor.u32 $0xD0000000, s2;
	s6 =	simm.s32 $0x108;
	_ =	swait.ge @!p0 [sflag:s8], $0x0  }
0x24: {  	s3 =	sadd.s32 $0x88, s3;
	s6 =	simm.s32 @!p1 $0x1082;
	[sflag:s4] =	ssyncset.s32 $0xFFFFF086  }
0x25: {  	[simem:s6], [sflag:s4] =	dma.local [hbm:s3], $0xF7A  }
0x26: {  	[smem:$0x3FA0] =	sst s1;
	(tag) =	ssettag s2;
	_ =	strace s9  }
0x27: {  	s1 =	sld [smem:$0x3FB0]  }
0x28: {  	s2 =	sld [smem:$0x3FB1]  }
0x29: {  	s4 =	sld [smem:$0x3FB3]  }
0x2a: {  	p0 =	seq.s32 s5, $0x0;
	s5 =	sld [smem:$0x3FB4]  }
0x2b: {  	s6 =	sld [smem:$0x3FB5]  }
0x2c: {  	s7 =	sld [smem:$0x3FB6]  }
0x2d: {  	s3 =	simm.s32 $0x108;
	s8 =	sld [smem:$0x3FB7]  }
0x2e: {  	s3 =	simm.s32 @!p0 $0x1082;
	s9 =	sld [smem:$0x3FB8]  }
0x2f: {  	lr =	sadd.s32 s0, s3;
	s0 =	sld [smem:$0x3FAF]  }
0x30: {  	s3 =	sld [smem:$0x3FB2]  }
0x31: {  	[smem:$0x3FBB] =	sst s10  }
0x32: {  	s10 =	sld [smem:$0x3FB9];
	_ =	sdelay $0x3  }
0x33: {  	p0 =	seq.s32 s10, $0x1;
	s10 =	sld [smem:$0x3FBB];
	_ =	sdelay $0x3  }
0x34: {  	[smem:$0x3FBB] =	sst s10  }
0x35: {  	s10 =	sld [smem:$0x3FBA];
	_ =	sdelay $0x3  }
0x36: {  	p1 =	seq.s32 s10, $0x1;
	s10 =	sld [smem:$0x3FBB];
	_ =	sdelay $0x3  }
0x37: {  	[smem:$0x3FBB] =	sst s10  }
0x38: {  	s10 =	sld [smem:$0x3FBC]  }
0x39: {  	_ = 	snop;
	(pc) =	sbr.ind lr, $3  }
0x3a: {  	_ = 	snop  }
0x3b: {  	_ = 	snop  }
0x3c: {  	p2 =	seq.s32 s10, $0x1;
	s10 =	sld [smem:$0x3FBB]  }
0x3d: {  	_ =	shalt  }
0x3e: {  	_ =	shalt  }
0x3f: {  	_ =	shalt  }
0x40: {  	_ =	shalt  }
0x41: {  	_ =	shalt  }
0x42: {  	_ =	shalt  }
0x43: {  	_ =	shalt  }
0x44: {  	_ =	shalt  }
0x45: {  	_ =	shalt  }
0x46: {  	_ =	shalt  }
0x47: {  	_ =	shalt  }
0x48: {  	_ =	shalt  }
0x49: {  	_ =	shalt  }
0x4a: {  	_ =	shalt  }
0x4b: {  	_ =	shalt  }
0x4c: {  	_ =	shalt  }
0x4d: {  	_ =	shalt  }
0x4e: {  	_ =	shalt  }
0x4f: {  	_ =	shalt  }
0x50: {  	_ =	shalt  }
0x51: {  	_ =	shalt  }
0x52: {  	_ =	shalt  }
0x53: {  	_ =	shalt  }
0x54: {  	_ =	shalt  }
0x55: {  	_ =	shalt  }
0x56: {  	_ =	shalt  }
0x57: {  	_ =	shalt  }
0x58: {  	_ =	shalt  }
0x59: {  	_ =	shalt  }
0x5a: {  	_ =	shalt  }
0x5b: {  	_ =	shalt  }
0x5c: {  	_ =	shalt  }
0x5d: {  	_ =	shalt  }
0x5e: {  	_ =	shalt  }
0x5f: {  	_ =	shalt  }
0x60: {  	_ =	shalt  }
0x61: {  	_ =	shalt  }
0x62: {  	_ =	shalt  }
0x63: {  	_ =	shalt  }
0x64: {  	_ =	shalt  }
0x65: {  	_ =	shalt  }
0x66: {  	_ =	shalt  }
0x67: {  	_ =	shalt  }
0x68: {  	_ =	shalt  }
0x69: {  	_ =	shalt  }
0x6a: {  	_ =	shalt  }
0x6b: {  	_ =	shalt  }
0x6c: {  	_ =	shalt  }
0x6d: {  	_ =	shalt  }
0x6e: {  	_ =	shalt  }
0x6f: {  	_ =	shalt  }
0x70: {  	_ =	shalt  }
0x71: {  	_ =	shalt  }
0x72: {  	_ =	shalt  }
0x73: {  	_ =	shalt  }
0x74: {  	_ =	shalt  }
0x75: {  	_ =	shalt  }
0x76: {  	_ =	shalt  }
0x77: {  	_ =	shalt  }
0x78: {  	_ =	shalt  }
0x79: {  	_ =	shalt  }
0x7a: {  	_ =	shalt  }
0x7b: {  	_ =	shalt  }
0x7c: {  	_ =	shalt  }
0x7d: {  	_ =	shalt  }
0x7e: {  	_ =	shalt  }
0x7f: {  	_ =	shalt  }
0x80: {  	_ =	shalt  }
0x81: {  	_ =	shalt  }
0x82: {  	_ =	shalt  }
0x83: {  	_ =	shalt  }
0x84: {  	_ =	shalt  }
0x85: {  	_ =	shalt  }
0x86: {  	_ =	shalt  }
0x87: {  	_ =	shalt  }
.Lfunc_end0:
.L_simem_size_0:
called_computation.1_lowered:
.L_overlay_start_0:
0x88: {  	s2 =	sld [smem:$0x3FD9]  }
0x89: {  	s3 =	sld [smem:$0x3FFE];
	_ =	sdelay $0x1  }
0x8a: {  	s1 =	srdreg.scid  }
0x8b: {  	s0 =	sand.u32 $0x1, s1  }
0x8c: {  	s17 =	sshll.u32 s0, $0xA;
	s2 =	sadd.s32 s3, s2  }
0x8d: {  	s2 =	sadd.s32 s2, s17  }
0x8e: {  	[smem:$0x3FC7] =	sst s2  }
0x8f: {  	_ = 	snop  }
0x90: {  	(tm) =	ssettm $0x1  }
0x91: {  	s18 =	sld [smem:$0x3FFB];
	_ =	sdelay $0x3  }
0x92: {  	_ =	strace s18  }
0x93: {  	s2 =	sld [smem:$0x3FFC];
	_ =	sdelay $0x3  }
0x94: {  	_ =	strace s2  }
0x95: {  	s2 =	sld [smem:$0x3FFD];
	_ =	sdelay $0x3  }
0x96: {  	_ =	strace s2  }
0x97: {  	_ =	strace $0x8FFFFFFF  }
0x98: {  	s19 =	sld [smem:$0x3FDB];
	_ =	sdelay $0x1  }
0x99: {  	s20 =	simm.s32 $_scs_section_size  }
0x9a: {  	s4 =	simm.s32 $_size__tile_overlayer_lowered;
	s5 =	simm.s32 $_tile_overlayer_lowered  }
0x9b: {  	s6 =	simm.s32 $0x1BFF;
	s21 =	sshll.u32 s5, $0x1;
	s3 =	sadd.s32 s20, s19  }
0x9c: {  	s22 =	simm.s32 $0x0;
	s4 =	sshll.u32 s4, $0x1;
	s5 =	sadd.s32 s21, s3  }
0x9d: {  	[timem:s22], [sflag:s6] =	dma.local [hbm:s5], s4  }
0x9e: {  	_ =	swait.ge [sflag:s6], s4  }
0x9f: {  	s4 =	ssub.s32 $0x0, s4;
	[sflag:s6] =	ssyncset.done $0x0  }
0xa0: {  	[sflag:s6] =	ssyncadd.s32 s4;
	_ =	sdelay $0x1  }
0xa1: {  	s23 =	simm.s32 $0x1B8B  }
0xa2: {  	_ =	swait.ge [sflag:s23], $0x1  }
0xa3: {  	[sflag:s23] =	ssyncset.done $0x0  }
0xa4: {  	[sflag:s23] =	ssyncadd.s32 $0xFFFFFFFF  }
0xa5: {  	s4 =	sld [smem:$0x0]  }
0xa6: {  	s5 =	sand.u32 $0xFFFFFFFE, s1  }
0xa7: {  	p0 =	sne.s32 s1, s5  }
0xa8: {  	s5 =	sshll.u32 @p0 s5, $0xE  }
0xa9: {  	s5 =	sadd.s32 @p0 $0x11B8D, s5;
	s6 =	sshll.u32 @p0 s4, $0x11  }
0xaa: {  	s5 =	sor.u32 @p0 s6, s5  }
0xab: {  	[sflag:s5] =	ssyncadd.remote.s32 @p0 $0x1;
	_ =	sdelay $0x1  }
0xac: {  	s5 =	simm.s32 @p0 $0x1B8D  }
0xad: {  	_ =	swait.eq @p0 [sflag:s5], $0x1  }
0xae: {  	[sflag:s5] =	ssyncadd.s32 @p0 $0xFFFFFFFF  }
0xaf: {  	s6 =	sshll.u32 @!p0 s1, $0xE  }
0xb0: {  	s6 =	sor.u32 @!p0 $0x4000, s6;
	s5 =	simm.s32 @!p0 $0x1B8D  }
0xb1: {  	s4 =	sshll.u32 @!p0 s4, $0x11;
	s6 =	sadd.s32 @!p0 $0x11B8D, s6;
	_ =	swait.eq @!p0 [sflag:s5], $0x1  }
0xb2: {  	s4 =	sor.u32 @!p0 s4, s6;
	[sflag:s5] =	ssyncadd.s32 @!p0 $0xFFFFFFFF  }
0xb3: {  	s25 =	simm.s32 $0x1B8E;
	s24 =	sld [smem:$0x3FFE];
	[sflag:s4] =	ssyncadd.remote.s32 @!p0 $0x1  }
0xb4: {  	s26 =	simm.s32 $execute0_lowered;
	[smem:$0x3FD2] =	sst s25  }
0xb5: {  	s5 =	sshll.u32 s26, $0x1;
	_ =	strace $0x80000049;
	[dreg:$0x1] =	wrdreg $0xFFFFFFFF  }
0xb6: {  	s28 =	simm.s32 $_size_execute0_lowered;
	s3 =	sadd.s32 s3, s5;
	[dreg:$0x0] =	wrdreg $0x0  }
0xb7: {  	s5 =	sshll.u32 s28, $0x1;
	[dreg:$0x2] =	wrdreg s3  }
0xb8: {  	[dreg:$0x3] =	wrdreg s5  }
0xb9: {  	[dreg:$0x4] =	wrdreg $0xC0  }
0xba: {  	_ =	task [dreg:s22], $0x5FFFF  }
0xbb: {  	[dreg:$0x1] =	wrdreg $0xFFFFFFFF  }
0xbc: {  	[dreg:$0x0] =	wrdreg $0x60  }
0xbd: {  	[dreg:$0x2] =	wrdreg s24  }
0xbe: {  	[dreg:$0x3] =	wrdreg $0xA  }
0xbf: {  	_ =	task.clear_ibuf [dreg:s22], $0x4FFFF;
	_ =	strace $0x90000049  }
0xc0: {  	s29 =	simm.s32 $0xA;
	_ =	strace $0x8000004B  }
0xc1: {  	_ =	swait.ge [sflag:s29], $0x1  }
0xc2: {  	[sflag:s29] =	ssyncadd.s32 $0xFFFFFFFF  }
0xc3: {  	_ =	strace $0x9000004B  }
0xc4: {  	_ =	sfence  }
0xc5: {  	s30 =	sld [smem:$0x0];
	_ =	sdelay $0x2  }
0xc6: {  	s31 =	sshll.u32 s1, $0xD;
	s1 =	sshrl.u32 s1, $0x2  }
0xc7: {  	s4 =	sand.u32 $0x4000, s31;
	s1 =	sadd.s32 s1, s30  }
0xc8: {  	s0 =	sor.u32 s4, s0;
	s1 =	sshll.u32 s1, $0x11  }
0xc9: {  	s0 =	sor.u32 s1, s0  }
0xca: {  	s0 =	sadd.s32 $0x8F2B, s0  }
0xcb: {  	[sflag:s0] =	ssyncadd.remote.s32 $0x1  }
0xcc: {  	_ =	sfence.sel $0xFFFF  }
0xcd: {  	[dreg:$0x0] =	wrdreg $0xFFFFFFFF;
	(pc) =	sbr.abs _section_cstart, $3  }
0xce: {  	[dreg:$0x1] =	wrdreg $0xFFFFFFFF  }
0xcf: {  	_ =	task.clear_ibuf [dreg:s22], $0x2FFFF;
	_ =	strace $0x9FFFFFFF  }
0xd0: {  	(tm) =	ssettm $0x7FFFFFFF  }
0xd1: {  	_ =	shalt  }
tec
execute0_lowered:
.L_overlay_start_1:
0x0: {  	(tag) =	ssettag $0x1  }
0x1: {  	v0 =	vimm.s32 $0xB80;
	vm0 =	vcmask $0x300  }
0x2: {  	s0 =	srdreg.scid;
	vm14 =	vcmask $0x704;
	v0 =	vsel vm0, $0x0, v0  }
0x3: {  	s7 =	stileid.u32;
	vm15 =	vcmask $0xB08;
	s3 =	sand.u32 $0x1, s0;
	v0 =	vsel vm14, $0x80, v0  }
0x4: {  	vm4 =	vcmask $0xF0C;
	s0 =	sor.u32 s7, s3;
	v0 =	vsel vm15, $0x100, v0  }
0x5: {  	s2 =	simm.s32 $0x1;
	vm5 =	vcmask $0x1310;
	p0 =	sne.s32 s7, $0x0;
	p1 =	seq.s32 s0, $0x0;
	v0 =	vsel vm4, $0x180, v0  }
0x6: {  	s4 =	rddreg [dreg:$0x0];
	vm6 =	vcmask $0x1714;
	s1 =	simm.s32 $0x0;
	p1 =	por !p0, !p1;
	v0 =	vsel vm5, $0x200, v0  }
0x7: {  	vm7 =	vcmask $0x1B18;
	s11 =	simm.s32 $0x4000;
	s12 =	simm.s32 $0x0;
	p1 =	por !p1, !p1;
	v0 =	vsel vm6, $0x280, v0  }
0x8: {  	vm8 =	vcmask $0x1F1C;
	s6 =	sshll.u32 s7, $0x8;
	[smem:$0x7FF] =	sst s1;
	s2 =	simm.s32 @!p1 $0x0;
	v0 =	vsel vm7, $0x300, v0  }
0x9: {  	vm9 =	vcmask $0x2320;
	s7 =	smul.u32 $0x300, s7;
	s0 =	rddreg [dreg:$0x1];
	s5 =	ssub.s32 s3, s2;
	v0 =	vsel vm8, $0x380, v0  }
0xa: {  	vm10 =	vcmask $0x2724;
	_ =	strace $0x8000004A;
	s3 =	ssub.s32 $0x2, s3;
	s2 =	smul.u32 $0x3000, s5;
	v0 =	vsel vm9, $0x800, v0  }
0xb: {  	vm11 =	vcmask $0x2B28;
	s8 =	sshll.u32 s5, $0xC;
	s5 =	sshll.u32 s5, $0xD;
	s30 =	sshrl.u32 s3, $0x1;
	v0 =	vsel vm10, $0x880, v0  }
0xc: {  	vm12 =	vcmask $0x2F2C;
	s8 =	sor.u32 s6, s8;
	s6 =	sadd.s32 s6, s4;
	s5 =	sand.u32 $0x1FFFE000, s5;
	v0 =	vsel vm11, $0x900, v0  }
0xd: {  	vm13 =	vcmask $0x3330;
	v1 =	vlaneseq.u32;
	s10 =	ssub.s32 s3, s30;
	s9 =	sshrl.u32 s2, $0x3;
	s8 =	smul.u32 $0x60, s8;
	v0 =	vsel vm12, $0x980, v0  }
0xe: {  	vm14 =	vcmask $0x3734;
	s2 =	simm.s32 $0x1;
	s31 =	sadd.s32 s5, s6;
	s6 =	smax.u32 s10, $0x1;
	v2 =	vsel vm13, $0xA00, v0;
	v0 =	vmul.u32 $0x6, v1  }
0xf: {  	vm15 =	vcmask $0x3B38;
	s10 =	simm.s32 $0x3000;
	s9 =	sadd.s32 s9, s4;
	s8 =	sshrl.u32 s8, $0x3;
	v1 =	vsel vm14, $0xA80, v2  }
0x10: {  	s3 =	sadd.s32 $0x1E600, s9;
	s9 =	simm.s32 $0x8000;
	s8 =	sadd.s32 s8, s4;
	v1 =	vsel vm15, $0xB00, v1;
	v2 =	vor.u32 $0x1, v0;
	v3 =	vadd.s32 $0x2, v0  }
0x11: {  	s4 =	sadd.s32 $0x1F200, s31;
	s5 =	sadd.s32 $0x23200, s8;
	s8 =	simm.s32 $0x800;
	v4 =	vadd.s32 $0x3, v0;
	v5 =	vadd.s32 $0x4, v0;
	v6 =	vadd.s32 $0x5, v0  }
.LBB2_1:
0x12: {  	v7 =	vmov s1  }
0x13: {  	[tilespmem:s1], [sflag:$0x1] =	stream.linear.gather [hbm4b:s3+s1], $0x3000, $0x38;
	v8 =	vshll.u32 v7, $0x3;
	[tilespmem:$0xA000] =	vst v63  }
0x14: {  	_ =	swait.ge [sflag:s2], $0x3000;
	v7 =	vand.u32 $0x7F, v7;
	v8 =	vand.u32 $0x400, v8  }
0x15: {  	[sflag:s2] =	ssyncset.done $0x0;
	v7 =	vor.u32 v8, v7  }
0x16: {  	[sflag:s2] =	ssyncadd.s32 $0xFFFFD000;
	v7 =	vor.u32 v1, v7  }
0x17: {  	[tilespmem:s10], [sflag:$0x1] =	stream.strided.gather [hbm4b:s4+s8], $0x1000, s9, s8, $0x38;
	[tilespmem:$0xA000] =	vst v63  }
0x18: {  	_ =	swait.ge [sflag:s2], $0x1000  }
0x19: {  	[sflag:s2] =	ssyncset.done $0x0  }
0x1a: {  	[sflag:s2] =	ssyncadd.s32 $0xFFFFF000  }
0x1b: {  	v7 =	vld.idx.msk [tilespmem:v7+s10+$0x0], $0xffff;
	_ =	sdelay $0x2  }
0x1c: {  	v8 =	vmov s7  }
0x1d: {  	v10 =	vadd.s32 $0x1, v8  }
0x1e: {  	v9 =	vadd.s32 $0x2, v8;
	v11 =	vmul.u32 $0x3, v7;
	_ =	sdelay $0x1  }
0x1f: {  	v12 =	vadd.s32 $0x1, v11  }
0x20: {  	v8 =	vld.idx.msk [tilespmem:v8+s1+$0x0], $0xffff;
	v13 =	vadd.s32 $0x2, v11  }
0x21: {  	v10 =	vld.idx.msk [tilespmem:v10+s1+$0x0], $0xffff  }
0x22: {  	v7 =	vld.idx.msk [tilespmem:v9+s1+$0x0], $0xffff  }
0x23: {  	v9 =	vld.idx.msk [tilespmem:v11+s1+$0x0], $0xffff  }
0x24: {  	v11 =	vld.idx.msk [tilespmem:v12+s1+$0x0], $0xffff  }
0x25: {  	v62 =	vadd.s32 s1, v0;
	v61 =	vld.idx.msk [tilespmem:v13+s1+$0x0], $0xffff  }
0x26: {  	v14 =	vadd.s32 s1, v2  }
0x27: {  	v15 =	vadd.s32 s1, v3  }
0x28: {  	v16 =	vadd.s32 s1, v4;
	s13 =	simm.s32 $0x1;
	v9 =	vsub.f32 v9, v8  }
0x29: {  	v18 =	vmov s13;
	v11 =	vsub.f32 v11, v10  }
0x2a: {  	v17 =	vadd.s32 s1, v5;
	v63 =	vshll.u32 v18, $0x3;
	[tilespmem:v62+s11+$0x0] =	vst.idx.msk $0xffff, v9;
	v9 =	vsub.f32 v61, v7  }
0x2b: {  	v12 =	vand.u32 $0x400, v63;
	[tilespmem:v14+s11+$0x0] =	vst.idx.msk $0xffff, v11;
	v11 =	vand.u32 $0x7F, v18  }
0x2c: {  	[tilespmem:v15+s11+$0x0] =	vst.idx.msk $0xffff, v9;
	v11 =	vor.u32 v12, v11;
	v9 =	vadd.s32 s1, v6  }
0x2d: {  	[tilespmem:v16+s11+$0x0] =	vst.idx.msk $0xffff, v8;
	v8 =	vor.u32 v1, v11;
	_ =	sdelay $0x1  }
0x2e: {  	s15 =	simm.s32 $0x2;
	s14 =	smov.u32 s7;
	s13 =	simm.s32 $0x0;
	[tilespmem:v17+s11+$0x0] =	vst.idx.msk $0xffff, v10  }
.LBB2_2:
0x2f: {  	s13 =	sadd.s32 $0x60, s13  }
0x30: {  	[tilespmem:v9+s11+$0x0] =	vst.idx.msk $0xffff, v7;
	s14 =	sadd.s32 $0x3, s14;
	s16 =	smov.u32 s15;
	s17 =	sadd.s32 $0x1, s15  }
0x31: {  	p1 =	sne.s32 s15, $0xFF;
	v7 =	vld.idx.msk [tilespmem:v8+s10+$0x0], $0xffff;
	_ =	sdelay $0x2  }
0x32: {  	v8 =	vmov s14  }
0x33: {  	v9 =	vadd.s32 $0x2, v8  }
0x34: {  	v10 =	vadd.s32 $0x1, v8  }
0x35: {  	v11 =	vmul.u32 $0x3, v7;
	_ =	sdelay $0x1  }
0x36: {  	v12 =	vadd.s32 $0x1, v11;
	v13 =	vadd.s32 $0x2, v11  }
0x37: {  	v7 =	vld.idx.msk [tilespmem:v9+s1+$0x0], $0xffff  }
0x38: {  	v10 =	vld.idx.msk [tilespmem:v10+s1+$0x0], $0xffff  }
0x39: {  	v14 =	vld.idx.msk [tilespmem:v8+s1+$0x0], $0xffff  }
0x3a: {  	v8 =	vld.idx.msk [tilespmem:v11+s1+$0x0], $0xffff  }
0x3b: {  	v9 =	vld.idx.msk [tilespmem:v12+s1+$0x0], $0xffff  }
0x3c: {  	v11 =	vld.idx.msk [tilespmem:v13+s1+$0x0], $0xffff  }
0x3d: {  	v12 =	vadd.s32 s13, v0  }
0x3e: {  	v13 =	vadd.s32 s13, v2  }
0x3f: {  	v15 =	vmov s16;
	v16 =	vadd.s32 s13, v3;
	v17 =	vadd.s32 s13, v5  }
0x40: {  	v19 =	vadd.s32 s13, v4;
	v18 =	vshll.u32 v15, $0x3;
	v8 =	vsub.f32 v8, v14  }
0x41: {  	v15 =	vand.u32 $0x7F, v15;
	v18 =	vand.u32 $0x400, v18;
	v20 =	vsub.f32 v9, v10  }
.Ltmp0:
0x42: {  	v15 =	vor.u32 v18, v15;
	v9 =	vadd.s32 s13, v6;
	v11 =	vsub.f32 v11, v7;
	[tilespmem:v12+s11+$0x0] =	vst.idx.msk $0xffff, v8;
	(pc) =	sbr.rel @p1 .LBB2_2-.Ltmp0, $4  }
0x43: {  	v8 =	vor.u32 v1, v15;
	[tilespmem:v13+s11+$0x0] =	vst.idx.msk $0xffff, v20  }
0x44: {  	[tilespmem:v16+s11+$0x0] =	vst.idx.msk $0xffff, v11  }
0x45: {  	[tilespmem:v19+s11+$0x0] =	vst.idx.msk $0xffff, v14  }
0x46: {  	s15 =	smov.u32 s17;
	[tilespmem:v17+s11+$0x0] =	vst.idx.msk $0xffff, v10  }
0x47: {  	_ =	sdelay $0x3  }
0x48: {  	[tilespmem:v9+s11+$0x0] =	vst.idx.msk $0xffff, v7  }
0x49: {  	v7 =	vld.idx.msk [tilespmem:v8+s10+$0x0], $0xffff;
	_ =	sdelay $0x1  }
0x4a: {  	s14 =	sadd.s32 $0x3, s14  }
0x4b: {  	v8 =	vmov s14  }
0x4c: {  	v62 =	vadd.s32 $0x2, v8  }
0x4d: {  	v10 =	vadd.s32 $0x1, v8;
	v7 =	vmul.u32 $0x3, v7;
	_ =	sdelay $0x1  }
0x4e: {  	v11 =	vadd.s32 $0x1, v7  }
0x4f: {  	v8 =	vld.idx.msk [tilespmem:v8+s1+$0x0], $0xffff;
	v12 =	vadd.s32 $0x2, v7  }
0x50: {  	v9 =	vld.idx.msk [tilespmem:v62+s1+$0x0], $0xffff  }
0x51: {  	v10 =	vld.idx.msk [tilespmem:v10+s1+$0x0], $0xffff  }
0x52: {  	v7 =	vld.idx.msk [tilespmem:v7+s1+$0x0], $0xffff  }
0x53: {  	s13 =	sadd.s32 $0x60, s13;
	v11 =	vld.idx.msk [tilespmem:v11+s1+$0x0], $0xffff  }
0x54: {  	v13 =	vadd.s32 s13, v0;
	v12 =	vld.idx.msk [tilespmem:v12+s1+$0x0], $0xffff  }
0x55: {  	v14 =	vadd.s32 s13, v2  }
0x56: {  	v15 =	vadd.s32 s13, v3  }
0x57: {  	v16 =	vadd.s32 s13, v4;
	v7 =	vsub.f32 v7, v8  }
0x58: {  	v17 =	vadd.s32 s13, v5;
	v11 =	vsub.f32 v11, v10  }
0x59: {  	v63 =	vadd.s32 s13, v6;
	[tilespmem:v13+s11+$0x0] =	vst.idx.msk $0xffff, v7;
	v7 =	vsub.f32 v12, v9  }
0x5a: {  	[tilespmem:v14+s11+$0x0] =	vst.idx.msk $0xffff, v11  }
0x5b: {  	[tilespmem:v15+s11+$0x0] =	vst.idx.msk $0xffff, v7  }
0x5c: {  	s12 =	sadd.s32 $0x1, s12;
	[tilespmem:v16+s11+$0x0] =	vst.idx.msk $0xffff, v8  }
0x5d: {  	p1 =	sne.s32 s12, s6;
	[tilespmem:v17+s11+$0x0] =	vst.idx.msk $0xffff, v10  }
.Ltmp1:
0x5e: {  	[tilespmem:v63+s11+$0x0] =	vst.idx.msk $0xffff, v9;
	(pc) =	sbr.rel @p1 .LBB2_1-.Ltmp1, $4  }
0x5f: {  	[hbm4b:s5+s1] =	stream.linear.scatter [tilespmem:s11], [sflag:$0x1], $0x6000, $0x38;
	[tilespmem:$0xA000] =	vst v63  }
0x60: {  	_ =	swait.ge [sflag:s2], $0x6000  }
0x61: {  	[sflag:s2] =	ssyncset.done $0x0  }
0x62: {  	[sflag:s2] =	ssyncadd.s32 $0xFFFFA000  }
0x63: {  	_ =	sfence.sel $0x180000  }
0x64: {  	[bflag:$0x0] =	sbarrier.arrive $0xFFFF  }
0x65: {  	_ =	strace $0x9000004A  }
0x66: {  	s0 =	sadd.s32 @!p0 $0x100000, s0;
	[bflag:$0x2] =	sbarrier.arrive $0xFFFF  }
0x67: {  	[sflag:s0] =	ssyncadd.tile.s32 @!p0 $0x1;
	_ =	shalt  }
.Lfunc_end2:
_tile_overlayer_lowered:
.L_overlay_start_2:
0x68: {  	(tag) =	ssettag $0x2  }
0x69: {  	s0 =	rddreg [dreg:$0x0];
	s2 =	stileid.u32  }
0x6a: {  	s1 =	rddreg [dreg:$0x1];
	p0 =	sne.s32 s2, $0x0  }
0x6b: {  	s3 =	rddreg [dreg:$0x2];
	[bflag:$0x3] =	sbarrier.arrive $0xFFFF;
	s2 =	simm.s32 @!p0 $0x1C01  }
0x6c: {  	[timem:s3], [sflag:s2] =	dma.local @!p0 [hbm:s0], s1  }
0x6d: {  	s0 =	simm.s32 @!p0 $0x1  }
0x6e: {  	_ =	swait.ge @!p0 [sflag:s0], s1  }
0x6f: {  	s1 =	ssub.s32 @!p0 $0x0, s1;
	[sflag:s0] =	ssyncset.done @!p0 $0x0  }
0x70: {  	[sflag:s0] =	ssyncadd.s32 @!p0 s1  }
0x71: {  	[bflag:$0x3] =	sbarrier.arrive $0xFFFF  }
0x72: {  	_ =	shalt  }

// kernel: kernel.16.cloned.1.call-start
scs
__scs_entry_jumppad:
0x0: {  	(pc) =	sbr.rel $0x88, $3  }
0x1: {  	(tag) =	ssettag $0x0;
	lr =	simm.s32 $0x1  }
0x2: {  	[smem:$0x3FA0] =	sst lr;
	_ =	strace $0xD0000000  }
0x3: {  	_ = 	snop  }
0x4: {  	_ = 	snop  }
0x5: {  	_ = 	snop  }
0x6: {  	_ = 	snop  }
0x7: {  	_ = 	snop  }
__scs_overlays_trampoline_lowered:
0x8: {  	[smem:$0x3FAF] =	sst s0  }
0x9: {  	[smem:$0x3FB0] =	sst s1  }
0xa: {  	[smem:$0x3FB1] =	sst s2  }
0xb: {  	[smem:$0x3FB2] =	sst s3  }
0xc: {  	[smem:$0x3FB3] =	sst s4  }
0xd: {  	[smem:$0x3FB4] =	sst s5  }
0xe: {  	[smem:$0x3FB5] =	sst s6  }
0xf: {  	[smem:$0x3FB6] =	sst s7  }
0x10: {  	[smem:$0x3FB7] =	sst s8  }
0x11: {  	[smem:$0x3FB8] =	sst s9;
	s0 =	simm.s32 @!p0 $0x0  }
0x12: {  	s1 =	sld [smem:$0x3F9E];
	s0 =	simm.s32 @p0 $0x1  }
0x13: {  	[smem:$0x3FB9] =	sst s0;
	s0 =	simm.s32 @!p1 $0x0  }
0x14: {  	s2 =	sld [smem:$0x3F9D];
	s0 =	simm.s32 @p1 $0x1  }
0x15: {  	[smem:$0x3FBA] =	sst s0;
	s0 =	simm.s32 @!p2 $0x0  }
0x16: {  	s3 =	sld [smem:$0x3FDB];
	s0 =	simm.s32 @p2 $0x1  }
0x17: {  	s4 =	simm.s32 $0x1BF5;
	[smem:$0x3FBC] =	sst s0  }
0x18: {  	s0 =	sld [smem:$0x3F9F];
	_ =	swait.ge [sflag:s4], $0x0  }
0x19: {  	s7 =	sld [smem:$0x3FA0]  }
0x1a: {  	s8 =	sadd.s32 $0xFFFFE003, lr  }
0x1b: {  	s9 =	sadd.s32 $0xFFFFFEF7, lr;
	s5 =	simm.s32 $0xFFFFFFFF;
	p2 =	slt.u32 s8, $0xFFFFF086  }
0x1c: {  	p1 =	slt.u32 s9, $0xF7A;
	s5 =	simm.s32 @!p2 $0x0  }
0x1d: {  	s5 =	simm.s32 @p1 $0x1;
	p0 =	seq.s32 s7, s2  }
0x1e: {  	s7 =	smul.u32 @!p0 $0xF7A, s2;
	p2 =	seq.s32 @!p0 s5, $0x0  }
0x1f: {  	s9 =	smul.u32 $0xF7A, s1;
	s8 =	simm.s32 @!p0 $0x1BF5;
	p2 =	por !p2, p0  }
0x20: {  	[sflag:s8] =	ssyncset.s32 @!p0 $0xFFFFF086;
	s6 =	sadd.s32 @!p0 s3, s7;
	s7 =	simm.s32 @!p0 $0x108  }
0x21: {  	s3 =	sadd.s32 s3, s9;
	s6 =	sadd.s32 @!p0 $0x88, s6;
	s7 =	simm.s32 @p2 $0x1082  }
0x22: {  	[simem:s7], [sflag:s8] =	dma.local @!p0 [hbm:s6], $0xF7A  }
0x23: {  	s9 =	sor.u32 $0xD0000000, s2;
	s6 =	simm.s32 $0x108;
	_ =	swait.ge @!p0 [sflag:s8], $0x0  }
0x24: {  	s3 =	sadd.s32 $0x88, s3;
	s6 =	simm.s32 @!p1 $0x1082;
	[sflag:s4] =	ssyncset.s32 $0xFFFFF086  }
0x25: {  	[simem:s6], [sflag:s4] =	dma.local [hbm:s3], $0xF7A  }
0x26: {  	[smem:$0x3FA0] =	sst s1;
	(tag) =	ssettag s2;
	_ =	strace s9  }
0x27: {  	s1 =	sld [smem:$0x3FB0]  }
0x28: {  	s2 =	sld [smem:$0x3FB1]  }
0x29: {  	s4 =	sld [smem:$0x3FB3]  }
0x2a: {  	p0 =	seq.s32 s5, $0x0;
	s5 =	sld [smem:$0x3FB4]  }
0x2b: {  	s6 =	sld [smem:$0x3FB5]  }
0x2c: {  	s7 =	sld [smem:$0x3FB6]  }
0x2d: {  	s3 =	simm.s32 $0x108;
	s8 =	sld [smem:$0x3FB7]  }
0x2e: {  	s3 =	simm.s32 @!p0 $0x1082;
	s9 =	sld [smem:$0x3FB8]  }
0x2f: {  	lr =	sadd.s32 s0, s3;
	s0 =	sld [smem:$0x3FAF]  }
0x30: {  	s3 =	sld [smem:$0x3FB2]  }
0x31: {  	[smem:$0x3FBB] =	sst s10  }
0x32: {  	s10 =	sld [smem:$0x3FB9];
	_ =	sdelay $0x3  }
0x33: {  	p0 =	seq.s32 s10, $0x1;
	s10 =	sld [smem:$0x3FBB];
	_ =	sdelay $0x3  }
0x34: {  	[smem:$0x3FBB] =	sst s10  }
0x35: {  	s10 =	sld [smem:$0x3FBA];
	_ =	sdelay $0x3  }
0x36: {  	p1 =	seq.s32 s10, $0x1;
	s10 =	sld [smem:$0x3FBB];
	_ =	sdelay $0x3  }
0x37: {  	[smem:$0x3FBB] =	sst s10  }
0x38: {  	s10 =	sld [smem:$0x3FBC]  }
0x39: {  	_ = 	snop;
	(pc) =	sbr.ind lr, $3  }
0x3a: {  	_ = 	snop  }
0x3b: {  	_ = 	snop  }
0x3c: {  	p2 =	seq.s32 s10, $0x1;
	s10 =	sld [smem:$0x3FBB]  }
0x3d: {  	_ =	shalt  }
0x3e: {  	_ =	shalt  }
0x3f: {  	_ =	shalt  }
0x40: {  	_ =	shalt  }
0x41: {  	_ =	shalt  }
0x42: {  	_ =	shalt  }
0x43: {  	_ =	shalt  }
0x44: {  	_ =	shalt  }
0x45: {  	_ =	shalt  }
0x46: {  	_ =	shalt  }
0x47: {  	_ =	shalt  }
0x48: {  	_ =	shalt  }
0x49: {  	_ =	shalt  }
0x4a: {  	_ =	shalt  }
0x4b: {  	_ =	shalt  }
0x4c: {  	_ =	shalt  }
0x4d: {  	_ =	shalt  }
0x4e: {  	_ =	shalt  }
0x4f: {  	_ =	shalt  }
0x50: {  	_ =	shalt  }
0x51: {  	_ =	shalt  }
0x52: {  	_ =	shalt  }
0x53: {  	_ =	shalt  }
0x54: {  	_ =	shalt  }
0x55: {  	_ =	shalt  }
0x56: {  	_ =	shalt  }
0x57: {  	_ =	shalt  }
0x58: {  	_ =	shalt  }
0x59: {  	_ =	shalt  }
0x5a: {  	_ =	shalt  }
0x5b: {  	_ =	shalt  }
0x5c: {  	_ =	shalt  }
0x5d: {  	_ =	shalt  }
0x5e: {  	_ =	shalt  }
0x5f: {  	_ =	shalt  }
0x60: {  	_ =	shalt  }
0x61: {  	_ =	shalt  }
0x62: {  	_ =	shalt  }
0x63: {  	_ =	shalt  }
0x64: {  	_ =	shalt  }
0x65: {  	_ =	shalt  }
0x66: {  	_ =	shalt  }
0x67: {  	_ =	shalt  }
0x68: {  	_ =	shalt  }
0x69: {  	_ =	shalt  }
0x6a: {  	_ =	shalt  }
0x6b: {  	_ =	shalt  }
0x6c: {  	_ =	shalt  }
0x6d: {  	_ =	shalt  }
0x6e: {  	_ =	shalt  }
0x6f: {  	_ =	shalt  }
0x70: {  	_ =	shalt  }
0x71: {  	_ =	shalt  }
0x72: {  	_ =	shalt  }
0x73: {  	_ =	shalt  }
0x74: {  	_ =	shalt  }
0x75: {  	_ =	shalt  }
0x76: {  	_ =	shalt  }
0x77: {  	_ =	shalt  }
0x78: {  	_ =	shalt  }
0x79: {  	_ =	shalt  }
0x7a: {  	_ =	shalt  }
0x7b: {  	_ =	shalt  }
0x7c: {  	_ =	shalt  }
0x7d: {  	_ =	shalt  }
0x7e: {  	_ =	shalt  }
0x7f: {  	_ =	shalt  }
0x80: {  	_ =	shalt  }
0x81: {  	_ =	shalt  }
0x82: {  	_ =	shalt  }
0x83: {  	_ =	shalt  }
0x84: {  	_ =	shalt  }
0x85: {  	_ =	shalt  }
0x86: {  	_ =	shalt  }
0x87: {  	_ =	shalt  }
.Lfunc_end0:
.L_simem_size_0:
called_computation.2_lowered:
.L_overlay_start_0:
0x88: {  	s2 =	sld [smem:$0x3FD9]  }
0x89: {  	s3 =	sld [smem:$0x3FFE];
	_ =	sdelay $0x1  }
0x8a: {  	s1 =	srdreg.scid  }
0x8b: {  	s0 =	sand.u32 $0x1, s1  }
0x8c: {  	s17 =	sshll.u32 s0, $0xA;
	s2 =	sadd.s32 s3, s2  }
0x8d: {  	s2 =	sadd.s32 s2, s17  }
0x8e: {  	[smem:$0x3FC7] =	sst s2  }
0x8f: {  	_ = 	snop  }
0x90: {  	(tm) =	ssettm $0x1  }
0x91: {  	s18 =	sld [smem:$0x3FFB];
	_ =	sdelay $0x3  }
0x92: {  	_ =	strace s18  }
0x93: {  	s2 =	sld [smem:$0x3FFC];
	_ =	sdelay $0x3  }
0x94: {  	_ =	strace s2  }
0x95: {  	s2 =	sld [smem:$0x3FFD];
	_ =	sdelay $0x3  }
0x96: {  	_ =	strace s2  }
0x97: {  	_ =	strace $0x8FFFFFFF  }
0x98: {  	s19 =	sld [smem:$0x3FDB];
	_ =	sdelay $0x1  }
0x99: {  	s20 =	simm.s32 $_scs_section_size  }
0x9a: {  	s4 =	simm.s32 $_size__tile_overlayer_lowered;
	s5 =	simm.s32 $_tile_overlayer_lowered  }
0x9b: {  	s6 =	simm.s32 $0x1BFF;
	s21 =	sshll.u32 s5, $0x1;
	s3 =	sadd.s32 s20, s19  }
0x9c: {  	s22 =	simm.s32 $0x0;
	s4 =	sshll.u32 s4, $0x1;
	s5 =	sadd.s32 s21, s3  }
0x9d: {  	[timem:s22], [sflag:s6] =	dma.local [hbm:s5], s4  }
0x9e: {  	_ =	swait.ge [sflag:s6], s4  }
0x9f: {  	s4 =	ssub.s32 $0x0, s4;
	[sflag:s6] =	ssyncset.done $0x0  }
0xa0: {  	[sflag:s6] =	ssyncadd.s32 s4;
	_ =	sdelay $0x1  }
0xa1: {  	s23 =	simm.s32 $0x1B8B  }
0xa2: {  	_ =	swait.ge [sflag:s23], $0x1  }
0xa3: {  	[sflag:s23] =	ssyncset.done $0x0  }
0xa4: {  	[sflag:s23] =	ssyncadd.s32 $0xFFFFFFFF  }
0xa5: {  	s4 =	sld [smem:$0x0]  }
0xa6: {  	s5 =	sand.u32 $0xFFFFFFFE, s1  }
0xa7: {  	p0 =	sne.s32 s1, s5  }
0xa8: {  	s5 =	sshll.u32 @p0 s5, $0xE  }
0xa9: {  	s5 =	sadd.s32 @p0 $0x11B8D, s5;
	s6 =	sshll.u32 @p0 s4, $0x11  }
0xaa: {  	s5 =	sor.u32 @p0 s6, s5  }
0xab: {  	[sflag:s5] =	ssyncadd.remote.s32 @p0 $0x1;
	_ =	sdelay $0x1  }
0xac: {  	s5 =	simm.s32 @p0 $0x1B8D  }
0xad: {  	_ =	swait.eq @p0 [sflag:s5], $0x1  }
0xae: {  	[sflag:s5] =	ssyncadd.s32 @p0 $0xFFFFFFFF  }
0xaf: {  	s6 =	sshll.u32 @!p0 s1, $0xE  }
0xb0: {  	s6 =	sor.u32 @!p0 $0x4000, s6;
	s5 =	simm.s32 @!p0 $0x1B8D  }
0xb1: {  	s4 =	sshll.u32 @!p0 s4, $0x11;
	s6 =	sadd.s32 @!p0 $0x11B8D, s6;
	_ =	swait.eq @!p0 [sflag:s5], $0x1  }
0xb2: {  	s4 =	sor.u32 @!p0 s4, s6;
	[sflag:s5] =	ssyncadd.s32 @!p0 $0xFFFFFFFF  }
0xb3: {  	s25 =	simm.s32 $0x1B8E;
	s24 =	sld [smem:$0x3FFE];
	[sflag:s4] =	ssyncadd.remote.s32 @!p0 $0x1  }
0xb4: {  	s26 =	simm.s32 $execute0_lowered;
	[smem:$0x3FD2] =	sst s25  }
0xb5: {  	s5 =	sshll.u32 s26, $0x1;
	_ =	strace $0x8000004C;
	[dreg:$0x1] =	wrdreg $0xFFFFFFFF  }
0xb6: {  	s28 =	simm.s32 $_size_execute0_lowered;
	s3 =	sadd.s32 s3, s5;
	[dreg:$0x0] =	wrdreg $0x0  }
0xb7: {  	s5 =	sshll.u32 s28, $0x1;
	[dreg:$0x2] =	wrdreg s3  }
0xb8: {  	[dreg:$0x3] =	wrdreg s5  }
0xb9: {  	[dreg:$0x4] =	wrdreg $0xC0  }
0xba: {  	_ =	task [dreg:s22], $0x5FFFF  }
0xbb: {  	[dreg:$0x1] =	wrdreg $0xFFFFFFFF  }
0xbc: {  	[dreg:$0x0] =	wrdreg $0x60  }
0xbd: {  	[dreg:$0x2] =	wrdreg s24  }
0xbe: {  	[dreg:$0x3] =	wrdreg $0xB  }
0xbf: {  	_ =	task.clear_ibuf [dreg:s22], $0x4FFFF;
	_ =	strace $0x9000004C  }
0xc0: {  	s29 =	simm.s32 $0xB;
	_ =	strace $0x8000004E  }
0xc1: {  	_ =	swait.ge [sflag:s29], $0x1  }
0xc2: {  	[sflag:s29] =	ssyncadd.s32 $0xFFFFFFFF  }
0xc3: {  	_ =	strace $0x9000004E  }
0xc4: {  	_ =	sfence  }
0xc5: {  	s30 =	sld [smem:$0x0];
	_ =	sdelay $0x2  }
0xc6: {  	s31 =	sshll.u32 s1, $0xD;
	s1 =	sshrl.u32 s1, $0x2  }
0xc7: {  	s4 =	sand.u32 $0x4000, s31;
	s1 =	sadd.s32 s1, s30  }
0xc8: {  	s0 =	sor.u32 s4, s0;
	s1 =	sshll.u32 s1, $0x11  }
0xc9: {  	s0 =	sor.u32 s1, s0  }
0xca: {  	s0 =	sadd.s32 $0x8F2B, s0  }
0xcb: {  	[sflag:s0] =	ssyncadd.remote.s32 $0x1  }
0xcc: {  	_ =	sfence.sel $0xFFFF  }
0xcd: {  	[dreg:$0x0] =	wrdreg $0xFFFFFFFF;
	(pc) =	sbr.abs _section_cstart, $3  }
0xce: {  	[dreg:$0x1] =	wrdreg $0xFFFFFFFF  }
0xcf: {  	_ =	task.clear_ibuf [dreg:s22], $0x2FFFF;
	_ =	strace $0x9FFFFFFF  }
0xd0: {  	(tm) =	ssettm $0x7FFFFFFF  }
0xd1: {  	_ =	shalt  }
tec
execute0_lowered:
.L_overlay_start_1:
0x0: {  	(tag) =	ssettag $0x1  }
0x1: {  	v0 =	vimm.s32 $0xB80;
	vm0 =	vcmask $0x300  }
0x2: {  	s0 =	srdreg.scid;
	vm14 =	vcmask $0x704;
	v0 =	vsel vm0, $0x0, v0  }
0x3: {  	s7 =	stileid.u32;
	vm15 =	vcmask $0xB08;
	s3 =	sand.u32 $0x1, s0;
	v0 =	vsel vm14, $0x80, v0  }
0x4: {  	vm4 =	vcmask $0xF0C;
	s0 =	sor.u32 s7, s3;
	v0 =	vsel vm15, $0x100, v0  }
0x5: {  	s2 =	simm.s32 $0x1;
	vm5 =	vcmask $0x1310;
	p0 =	sne.s32 s7, $0x0;
	p1 =	seq.s32 s0, $0x0;
	v0 =	vsel vm4, $0x180, v0  }
0x6: {  	s4 =	rddreg [dreg:$0x0];
	vm6 =	vcmask $0x1714;
	s1 =	simm.s32 $0x0;
	p1 =	por !p0, !p1;
	v0 =	vsel vm5, $0x200, v0  }
0x7: {  	vm7 =	vcmask $0x1B18;
	s11 =	simm.s32 $0x4000;
	s12 =	simm.s32 $0x0;
	p1 =	por !p1, !p1;
	v0 =	vsel vm6, $0x280, v0  }
0x8: {  	vm8 =	vcmask $0x1F1C;
	s6 =	sshll.u32 s7, $0x8;
	[smem:$0x7FF] =	sst s1;
	s2 =	simm.s32 @!p1 $0x0;
	v0 =	vsel vm7, $0x300, v0  }
0x9: {  	vm9 =	vcmask $0x2320;
	s7 =	smul.u32 $0x300, s7;
	s0 =	rddreg [dreg:$0x1];
	s5 =	ssub.s32 s3, s2;
	v0 =	vsel vm8, $0x380, v0  }
0xa: {  	vm10 =	vcmask $0x2724;
	_ =	strace $0x8000004D;
	s3 =	ssub.s32 $0x2, s3;
	s2 =	smul.u32 $0x3000, s5;
	v0 =	vsel vm9, $0x800, v0  }
0xb: {  	vm11 =	vcmask $0x2B28;
	s8 =	sshll.u32 s5, $0xC;
	s5 =	sshll.u32 s5, $0xD;
	s30 =	sshrl.u32 s3, $0x1;
	v0 =	vsel vm10, $0x880, v0  }
0xc: {  	vm12 =	vcmask $0x2F2C;
	s8 =	sor.u32 s6, s8;
	s6 =	sadd.s32 s6, s4;
	s5 =	sand.u32 $0x1FFFE000, s5;
	v0 =	vsel vm11, $0x900, v0  }
0xd: {  	vm13 =	vcmask $0x3330;
	v1 =	vlaneseq.u32;
	s10 =	ssub.s32 s3, s30;
	s9 =	sshrl.u32 s2, $0x3;
	s8 =	smul.u32 $0x60, s8;
	v0 =	vsel vm12, $0x980, v0  }
0xe: {  	vm14 =	vcmask $0x3734;
	s2 =	simm.s32 $0x1;
	s31 =	sadd.s32 s5, s6;
	s6 =	smax.u32 s10, $0x1;
	v2 =	vsel vm13, $0xA00, v0;
	v0 =	vmul.u32 $0x6, v1  }
0xf: {  	vm15 =	vcmask $0x3B38;
	s10 =	simm.s32 $0x3000;
	s9 =	sadd.s32 s9, s4;
	s8 =	sshrl.u32 s8, $0x3;
	v1 =	vsel vm14, $0xA80, v2  }
0x10: {  	s3 =	sadd.s32 $0x3B200, s9;
	s9 =	simm.s32 $0x8000;
	s8 =	sadd.s32 s8, s4;
	v1 =	vsel vm15, $0xB00, v1;
	v2 =	vor.u32 $0x1, v0;
	v3 =	vadd.s32 $0x2, v0  }
0x11: {  	s4 =	sadd.s32 $0x3BE00, s31;
	s5 =	sadd.s32 $0x3FE00, s8;
	s8 =	simm.s32 $0x800;
	v4 =	vadd.s32 $0x3, v0;
	v5 =	vadd.s32 $0x4, v0;
	v6 =	vadd.s32 $0x5, v0  }
.LBB2_1:
0x12: {  	v7 =	vmov s1  }
0x13: {  	[tilespmem:s1], [sflag:$0x1] =	stream.linear.gather [hbm4b:s3+s1], $0x3000, $0x38;
	v8 =	vshll.u32 v7, $0x3;
	[tilespmem:$0xA000] =	vst v63  }
0x14: {  	_ =	swait.ge [sflag:s2], $0x3000;
	v7 =	vand.u32 $0x7F, v7;
	v8 =	vand.u32 $0x400, v8  }
0x15: {  	[sflag:s2] =	ssyncset.done $0x0;
	v7 =	vor.u32 v8, v7  }
0x16: {  	[sflag:s2] =	ssyncadd.s32 $0xFFFFD000;
	v7 =	vor.u32 v1, v7  }
0x17: {  	[tilespmem:s10], [sflag:$0x1] =	stream.strided.gather [hbm4b:s4+s8], $0x1000, s9, s8, $0x38;
	[tilespmem:$0xA000] =	vst v63  }
0x18: {  	_ =	swait.ge [sflag:s2], $0x1000  }
0x19: {  	[sflag:s2] =	ssyncset.done $0x0  }
0x1a: {  	[sflag:s2] =	ssyncadd.s32 $0xFFFFF000  }
0x1b: {  	v7 =	vld.idx.msk [tilespmem:v7+s10+$0x0], $0xffff;
	_ =	sdelay $0x2  }
0x1c: {  	v8 =	vmov s7  }
0x1d: {  	v10 =	vadd.s32 $0x1, v8  }
0x1e: {  	v9 =	vadd.s32 $0x2, v8;
	v11 =	vmul.u32 $0x3, v7;
	_ =	sdelay $0x1  }
0x1f: {  	v12 =	vadd.s32 $0x1, v11  }
0x20: {  	v8 =	vld.idx.msk [tilespmem:v8+s1+$0x0], $0xffff;
	v13 =	vadd.s32 $0x2, v11  }
0x21: {  	v10 =	vld.idx.msk [tilespmem:v10+s1+$0x0], $0xffff  }
0x22: {  	v7 =	vld.idx.msk [tilespmem:v9+s1+$0x0], $0xffff  }
0x23: {  	v9 =	vld.idx.msk [tilespmem:v11+s1+$0x0], $0xffff  }
0x24: {  	v11 =	vld.idx.msk [tilespmem:v12+s1+$0x0], $0xffff  }
0x25: {  	v62 =	vadd.s32 s1, v0;
	v61 =	vld.idx.msk [tilespmem:v13+s1+$0x0], $0xffff  }
0x26: {  	v14 =	vadd.s32 s1, v2  }
0x27: {  	v15 =	vadd.s32 s1, v3  }
0x28: {  	v16 =	vadd.s32 s1, v4;
	s13 =	simm.s32 $0x1;
	v9 =	vsub.f32 v9, v8  }
0x29: {  	v18 =	vmov s13;
	v11 =	vsub.f32 v11, v10  }
0x2a: {  	v17 =	vadd.s32 s1, v5;
	v63 =	vshll.u32 v18, $0x3;
	[tilespmem:v62+s11+$0x0] =	vst.idx.msk $0xffff, v9;
	v9 =	vsub.f32 v61, v7  }
0x2b: {  	v12 =	vand.u32 $0x400, v63;
	[tilespmem:v14+s11+$0x0] =	vst.idx.msk $0xffff, v11;
	v11 =	vand.u32 $0x7F, v18  }
0x2c: {  	[tilespmem:v15+s11+$0x0] =	vst.idx.msk $0xffff, v9;
	v11 =	vor.u32 v12, v11;
	v9 =	vadd.s32 s1, v6  }
0x2d: {  	[tilespmem:v16+s11+$0x0] =	vst.idx.msk $0xffff, v8;
	v8 =	vor.u32 v1, v11;
	_ =	sdelay $0x1  }
0x2e: {  	s15 =	simm.s32 $0x2;
	s14 =	smov.u32 s7;
	s13 =	simm.s32 $0x0;
	[tilespmem:v17+s11+$0x0] =	vst.idx.msk $0xffff, v10  }
.LBB2_2:
0x2f: {  	s13 =	sadd.s32 $0x60, s13  }
0x30: {  	[tilespmem:v9+s11+$0x0] =	vst.idx.msk $0xffff, v7;
	s14 =	sadd.s32 $0x3, s14;
	s16 =	smov.u32 s15;
	s17 =	sadd.s32 $0x1, s15  }
0x31: {  	p1 =	sne.s32 s15, $0xFF;
	v7 =	vld.idx.msk [tilespmem:v8+s10+$0x0], $0xffff;
	_ =	sdelay $0x2  }
0x32: {  	v8 =	vmov s14  }
0x33: {  	v9 =	vadd.s32 $0x2, v8  }
0x34: {  	v10 =	vadd.s32 $0x1, v8  }
0x35: {  	v11 =	vmul.u32 $0x3, v7;
	_ =	sdelay $0x1  }
0x36: {  	v12 =	vadd.s32 $0x1, v11;
	v13 =	vadd.s32 $0x2, v11  }
0x37: {  	v7 =	vld.idx.msk [tilespmem:v9+s1+$0x0], $0xffff  }
0x38: {  	v10 =	vld.idx.msk [tilespmem:v10+s1+$0x0], $0xffff  }
0x39: {  	v14 =	vld.idx.msk [tilespmem:v8+s1+$0x0], $0xffff  }
0x3a: {  	v8 =	vld.idx.msk [tilespmem:v11+s1+$0x0], $0xffff  }
0x3b: {  	v9 =	vld.idx.msk [tilespmem:v12+s1+$0x0], $0xffff  }
0x3c: {  	v11 =	vld.idx.msk [tilespmem:v13+s1+$0x0], $0xffff  }
0x3d: {  	v12 =	vadd.s32 s13, v0  }
0x3e: {  	v13 =	vadd.s32 s13, v2  }
0x3f: {  	v15 =	vmov s16;
	v16 =	vadd.s32 s13, v3;
	v17 =	vadd.s32 s13, v5  }
0x40: {  	v19 =	vadd.s32 s13, v4;
	v18 =	vshll.u32 v15, $0x3;
	v8 =	vsub.f32 v8, v14  }
0x41: {  	v15 =	vand.u32 $0x7F, v15;
	v18 =	vand.u32 $0x400, v18;
	v20 =	vsub.f32 v9, v10  }
.Ltmp0:
0x42: {  	v15 =	vor.u32 v18, v15;
	v9 =	vadd.s32 s13, v6;
	v11 =	vsub.f32 v11, v7;
	[tilespmem:v12+s11+$0x0] =	vst.idx.msk $0xffff, v8;
	(pc) =	sbr.rel @p1 .LBB2_2-.Ltmp0, $4  }
0x43: {  	v8 =	vor.u32 v1, v15;
	[tilespmem:v13+s11+$0x0] =	vst.idx.msk $0xffff, v20  }
0x44: {  	[tilespmem:v16+s11+$0x0] =	vst.idx.msk $0xffff, v11  }
0x45: {  	[tilespmem:v19+s11+$0x0] =	vst.idx.msk $0xffff, v14  }
0x46: {  	s15 =	smov.u32 s17;
	[tilespmem:v17+s11+$0x0] =	vst.idx.msk $0xffff, v10  }
0x47: {  	_ =	sdelay $0x3  }
0x48: {  	[tilespmem:v9+s11+$0x0] =	vst.idx.msk $0xffff, v7  }
0x49: {  	v7 =	vld.idx.msk [tilespmem:v8+s10+$0x0], $0xffff;
	_ =	sdelay $0x1  }
0x4a: {  	s14 =	sadd.s32 $0x3, s14  }
0x4b: {  	v8 =	vmov s14  }
0x4c: {  	v62 =	vadd.s32 $0x2, v8  }
0x4d: {  	v10 =	vadd.s32 $0x1, v8;
	v7 =	vmul.u32 $0x3, v7;
	_ =	sdelay $0x1  }
0x4e: {  	v11 =	vadd.s32 $0x1, v7  }
0x4f: {  	v8 =	vld.idx.msk [tilespmem:v8+s1+$0x0], $0xffff;
	v12 =	vadd.s32 $0x2, v7  }
0x50: {  	v9 =	vld.idx.msk [tilespmem:v62+s1+$0x0], $0xffff  }
0x51: {  	v10 =	vld.idx.msk [tilespmem:v10+s1+$0x0], $0xffff  }
0x52: {  	v7 =	vld.idx.msk [tilespmem:v7+s1+$0x0], $0xffff  }
0x53: {  	s13 =	sadd.s32 $0x60, s13;
	v11 =	vld.idx.msk [tilespmem:v11+s1+$0x0], $0xffff  }
0x54: {  	v13 =	vadd.s32 s13, v0;
	v12 =	vld.idx.msk [tilespmem:v12+s1+$0x0], $0xffff  }
0x55: {  	v14 =	vadd.s32 s13, v2  }
0x56: {  	v15 =	vadd.s32 s13, v3  }
0x57: {  	v16 =	vadd.s32 s13, v4;
	v7 =	vsub.f32 v7, v8  }
0x58: {  	v17 =	vadd.s32 s13, v5;
	v11 =	vsub.f32 v11, v10  }
0x59: {  	v63 =	vadd.s32 s13, v6;
	[tilespmem:v13+s11+$0x0] =	vst.idx.msk $0xffff, v7;
	v7 =	vsub.f32 v12, v9  }
0x5a: {  	[tilespmem:v14+s11+$0x0] =	vst.idx.msk $0xffff, v11  }
0x5b: {  	[tilespmem:v15+s11+$0x0] =	vst.idx.msk $0xffff, v7  }
0x5c: {  	s12 =	sadd.s32 $0x1, s12;
	[tilespmem:v16+s11+$0x0] =	vst.idx.msk $0xffff, v8  }
0x5d: {  	p1 =	sne.s32 s12, s6;
	[tilespmem:v17+s11+$0x0] =	vst.idx.msk $0xffff, v10  }
.Ltmp1:
0x5e: {  	[tilespmem:v63+s11+$0x0] =	vst.idx.msk $0xffff, v9;
	(pc) =	sbr.rel @p1 .LBB2_1-.Ltmp1, $4  }
0x5f: {  	[hbm4b:s5+s1] =	stream.linear.scatter [tilespmem:s11], [sflag:$0x1], $0x6000, $0x38;
	[tilespmem:$0xA000] =	vst v63  }
0x60: {  	_ =	swait.ge [sflag:s2], $0x6000  }
0x61: {  	[sflag:s2] =	ssyncset.done $0x0  }
0x62: {  	[sflag:s2] =	ssyncadd.s32 $0xFFFFA000  }
0x63: {  	_ =	sfence.sel $0x180000  }
0x64: {  	[bflag:$0x0] =	sbarrier.arrive $0xFFFF  }
0x65: {  	_ =	strace $0x9000004D  }
0x66: {  	s0 =	sadd.s32 @!p0 $0x100000, s0;
	[bflag:$0x2] =	sbarrier.arrive $0xFFFF  }
0x67: {  	[sflag:s0] =	ssyncadd.tile.s32 @!p0 $0x1;
	_ =	shalt  }
.Lfunc_end2:
_tile_overlayer_lowered:
.L_overlay_start_2:
0x68: {  	(tag) =	ssettag $0x2  }
0x69: {  	s0 =	rddreg [dreg:$0x0];
	s2 =	stileid.u32  }
0x6a: {  	s1 =	rddreg [dreg:$0x1];
	p0 =	sne.s32 s2, $0x0  }
0x6b: {  	s3 =	rddreg [dreg:$0x2];
	[bflag:$0x3] =	sbarrier.arrive $0xFFFF;
	s2 =	simm.s32 @!p0 $0x1C01  }
0x6c: {  	[timem:s3], [sflag:s2] =	dma.local @!p0 [hbm:s0], s1  }
0x6d: {  	s0 =	simm.s32 @!p0 $0x1  }
0x6e: {  	_ =	swait.ge @!p0 [sflag:s0], s1  }
0x6f: {  	s1 =	ssub.s32 @!p0 $0x0, s1;
	[sflag:s0] =	ssyncset.done @!p0 $0x0  }
0x70: {  	[sflag:s0] =	ssyncadd.s32 @!p0 s1  }
0x71: {  	[bflag:$0x3] =	sbarrier.arrive $0xFFFF  }
0x72: {  	_ =	shalt  }

// kernel: kernel.19.cloned.1.call-start
scs
__scs_entry_jumppad:
0x0: {  	(pc) =	sbr.rel $0x88, $3  }
0x1: {  	(tag) =	ssettag $0x0;
	lr =	simm.s32 $0x1  }
0x2: {  	[smem:$0x3FA0] =	sst lr;
	_ =	strace $0xD0000000  }
0x3: {  	_ = 	snop  }
0x4: {  	_ = 	snop  }
0x5: {  	_ = 	snop  }
0x6: {  	_ = 	snop  }
0x7: {  	_ = 	snop  }
__scs_overlays_trampoline_lowered:
0x8: {  	[smem:$0x3FAF] =	sst s0  }
0x9: {  	[smem:$0x3FB0] =	sst s1  }
0xa: {  	[smem:$0x3FB1] =	sst s2  }
0xb: {  	[smem:$0x3FB2] =	sst s3  }
0xc: {  	[smem:$0x3FB3] =	sst s4  }
0xd: {  	[smem:$0x3FB4] =	sst s5  }
0xe: {  	[smem:$0x3FB5] =	sst s6  }
0xf: {  	[smem:$0x3FB6] =	sst s7  }
0x10: {  	[smem:$0x3FB7] =	sst s8  }
0x11: {  	[smem:$0x3FB8] =	sst s9;
	s0 =	simm.s32 @!p0 $0x0  }
0x12: {  	s1 =	sld [smem:$0x3F9E];
	s0 =	simm.s32 @p0 $0x1  }
0x13: {  	[smem:$0x3FB9] =	sst s0;
	s0 =	simm.s32 @!p1 $0x0  }
0x14: {  	s2 =	sld [smem:$0x3F9D];
	s0 =	simm.s32 @p1 $0x1  }
0x15: {  	[smem:$0x3FBA] =	sst s0;
	s0 =	simm.s32 @!p2 $0x0  }
0x16: {  	s3 =	sld [smem:$0x3FDB];
	s0 =	simm.s32 @p2 $0x1  }
0x17: {  	s4 =	simm.s32 $0x1BF5;
	[smem:$0x3FBC] =	sst s0  }
0x18: {  	s0 =	sld [smem:$0x3F9F];
	_ =	swait.ge [sflag:s4], $0x0  }
0x19: {  	s7 =	sld [smem:$0x3FA0]  }
0x1a: {  	s8 =	sadd.s32 $0xFFFFE003, lr  }
0x1b: {  	s9 =	sadd.s32 $0xFFFFFEF7, lr;
	s5 =	simm.s32 $0xFFFFFFFF;
	p2 =	slt.u32 s8, $0xFFFFF086  }
0x1c: {  	p1 =	slt.u32 s9, $0xF7A;
	s5 =	simm.s32 @!p2 $0x0  }
0x1d: {  	s5 =	simm.s32 @p1 $0x1;
	p0 =	seq.s32 s7, s2  }
0x1e: {  	s7 =	smul.u32 @!p0 $0xF7A, s2;
	p2 =	seq.s32 @!p0 s5, $0x0  }
0x1f: {  	s9 =	smul.u32 $0xF7A, s1;
	s8 =	simm.s32 @!p0 $0x1BF5;
	p2 =	por !p2, p0  }
0x20: {  	[sflag:s8] =	ssyncset.s32 @!p0 $0xFFFFF086;
	s6 =	sadd.s32 @!p0 s3, s7;
	s7 =	simm.s32 @!p0 $0x108  }
0x21: {  	s3 =	sadd.s32 s3, s9;
	s6 =	sadd.s32 @!p0 $0x88, s6;
	s7 =	simm.s32 @p2 $0x1082  }
0x22: {  	[simem:s7], [sflag:s8] =	dma.local @!p0 [hbm:s6], $0xF7A  }
0x23: {  	s9 =	sor.u32 $0xD0000000, s2;
	s6 =	simm.s32 $0x108;
	_ =	swait.ge @!p0 [sflag:s8], $0x0  }
0x24: {  	s3 =	sadd.s32 $0x88, s3;
	s6 =	simm.s32 @!p1 $0x1082;
	[sflag:s4] =	ssyncset.s32 $0xFFFFF086  }
0x25: {  	[simem:s6], [sflag:s4] =	dma.local [hbm:s3], $0xF7A  }
0x26: {  	[smem:$0x3FA0] =	sst s1;
	(tag) =	ssettag s2;
	_ =	strace s9  }
0x27: {  	s1 =	sld [smem:$0x3FB0]  }
0x28: {  	s2 =	sld [smem:$0x3FB1]  }
0x29: {  	s4 =	sld [smem:$0x3FB3]  }
0x2a: {  	p0 =	seq.s32 s5, $0x0;
	s5 =	sld [smem:$0x3FB4]  }
0x2b: {  	s6 =	sld [smem:$0x3FB5]  }
0x2c: {  	s7 =	sld [smem:$0x3FB6]  }
0x2d: {  	s3 =	simm.s32 $0x108;
	s8 =	sld [smem:$0x3FB7]  }
0x2e: {  	s3 =	simm.s32 @!p0 $0x1082;
	s9 =	sld [smem:$0x3FB8]  }
0x2f: {  	lr =	sadd.s32 s0, s3;
	s0 =	sld [smem:$0x3FAF]  }
0x30: {  	s3 =	sld [smem:$0x3FB2]  }
0x31: {  	[smem:$0x3FBB] =	sst s10  }
0x32: {  	s10 =	sld [smem:$0x3FB9];
	_ =	sdelay $0x3  }
0x33: {  	p0 =	seq.s32 s10, $0x1;
	s10 =	sld [smem:$0x3FBB];
	_ =	sdelay $0x3  }
0x34: {  	[smem:$0x3FBB] =	sst s10  }
0x35: {  	s10 =	sld [smem:$0x3FBA];
	_ =	sdelay $0x3  }
0x36: {  	p1 =	seq.s32 s10, $0x1;
	s10 =	sld [smem:$0x3FBB];
	_ =	sdelay $0x3  }
0x37: {  	[smem:$0x3FBB] =	sst s10  }
0x38: {  	s10 =	sld [smem:$0x3FBC]  }
0x39: {  	_ = 	snop;
	(pc) =	sbr.ind lr, $3  }
0x3a: {  	_ = 	snop  }
0x3b: {  	_ = 	snop  }
0x3c: {  	p2 =	seq.s32 s10, $0x1;
	s10 =	sld [smem:$0x3FBB]  }
0x3d: {  	_ =	shalt  }
0x3e: {  	_ =	shalt  }
0x3f: {  	_ =	shalt  }
0x40: {  	_ =	shalt  }
0x41: {  	_ =	shalt  }
0x42: {  	_ =	shalt  }
0x43: {  	_ =	shalt  }
0x44: {  	_ =	shalt  }
0x45: {  	_ =	shalt  }
0x46: {  	_ =	shalt  }
0x47: {  	_ =	shalt  }
0x48: {  	_ =	shalt  }
0x49: {  	_ =	shalt  }
0x4a: {  	_ =	shalt  }
0x4b: {  	_ =	shalt  }
0x4c: {  	_ =	shalt  }
0x4d: {  	_ =	shalt  }
0x4e: {  	_ =	shalt  }
0x4f: {  	_ =	shalt  }
0x50: {  	_ =	shalt  }
0x51: {  	_ =	shalt  }
0x52: {  	_ =	shalt  }
0x53: {  	_ =	shalt  }
0x54: {  	_ =	shalt  }
0x55: {  	_ =	shalt  }
0x56: {  	_ =	shalt  }
0x57: {  	_ =	shalt  }
0x58: {  	_ =	shalt  }
0x59: {  	_ =	shalt  }
0x5a: {  	_ =	shalt  }
0x5b: {  	_ =	shalt  }
0x5c: {  	_ =	shalt  }
0x5d: {  	_ =	shalt  }
0x5e: {  	_ =	shalt  }
0x5f: {  	_ =	shalt  }
0x60: {  	_ =	shalt  }
0x61: {  	_ =	shalt  }
0x62: {  	_ =	shalt  }
0x63: {  	_ =	shalt  }
0x64: {  	_ =	shalt  }
0x65: {  	_ =	shalt  }
0x66: {  	_ =	shalt  }
0x67: {  	_ =	shalt  }
0x68: {  	_ =	shalt  }
0x69: {  	_ =	shalt  }
0x6a: {  	_ =	shalt  }
0x6b: {  	_ =	shalt  }
0x6c: {  	_ =	shalt  }
0x6d: {  	_ =	shalt  }
0x6e: {  	_ =	shalt  }
0x6f: {  	_ =	shalt  }
0x70: {  	_ =	shalt  }
0x71: {  	_ =	shalt  }
0x72: {  	_ =	shalt  }
0x73: {  	_ =	shalt  }
0x74: {  	_ =	shalt  }
0x75: {  	_ =	shalt  }
0x76: {  	_ =	shalt  }
0x77: {  	_ =	shalt  }
0x78: {  	_ =	shalt  }
0x79: {  	_ =	shalt  }
0x7a: {  	_ =	shalt  }
0x7b: {  	_ =	shalt  }
0x7c: {  	_ =	shalt  }
0x7d: {  	_ =	shalt  }
0x7e: {  	_ =	shalt  }
0x7f: {  	_ =	shalt  }
0x80: {  	_ =	shalt  }
0x81: {  	_ =	shalt  }
0x82: {  	_ =	shalt  }
0x83: {  	_ =	shalt  }
0x84: {  	_ =	shalt  }
0x85: {  	_ =	shalt  }
0x86: {  	_ =	shalt  }
0x87: {  	_ =	shalt  }
.Lfunc_end0:
.L_simem_size_0:
called_computation.3_lowered:
.L_overlay_start_0:
0x88: {  	s2 =	sld [smem:$0x3FD9]  }
0x89: {  	s3 =	sld [smem:$0x3FFE];
	_ =	sdelay $0x1  }
0x8a: {  	s1 =	srdreg.scid  }
0x8b: {  	s0 =	sand.u32 $0x1, s1  }
0x8c: {  	s16 =	sshll.u32 s0, $0xA;
	s2 =	sadd.s32 s3, s2  }
0x8d: {  	s2 =	sadd.s32 s2, s16  }
0x8e: {  	[smem:$0x3FC7] =	sst s2  }
0x8f: {  	_ = 	snop  }
0x90: {  	(tm) =	ssettm $0x1  }
0x91: {  	s17 =	sld [smem:$0x3FFB];
	_ =	sdelay $0x3  }
0x92: {  	_ =	strace s17  }
0x93: {  	s2 =	sld [smem:$0x3FFC];
	_ =	sdelay $0x3  }
0x94: {  	_ =	strace s2  }
0x95: {  	s2 =	sld [smem:$0x3FFD];
	_ =	sdelay $0x3  }
0x96: {  	_ =	strace s2  }
0x97: {  	_ =	strace $0x8FFFFFFF  }
0x98: {  	s18 =	sld [smem:$0x3FDB];
	_ =	sdelay $0x1  }
0x99: {  	s19 =	simm.s32 $_scs_section_size  }
0x9a: {  	s4 =	simm.s32 $_size__tile_overlayer_lowered;
	s5 =	simm.s32 $_tile_overlayer_lowered  }
0x9b: {  	s22 =	simm.s32 $0x1BFF;
	s21 =	sshll.u32 s5, $0x1;
	s2 =	sadd.s32 s19, s18  }
0x9c: {  	s6 =	simm.s32 $0x0;
	s20 =	sshll.u32 s4, $0x1;
	s4 =	sadd.s32 s21, s2  }
0x9d: {  	[timem:s6], [sflag:s22] =	dma.local [hbm:s4], s20  }
0x9e: {  	_ =	swait.ge [sflag:s22], s20  }
0x9f: {  	s3 =	ssub.s32 $0x0, s20;
	[sflag:s22] =	ssyncset.done $0x0  }
0xa0: {  	[sflag:s22] =	ssyncadd.s32 s3;
	_ =	sdelay $0x1  }
0xa1: {  	s23 =	simm.s32 $0x1B8B  }
0xa2: {  	_ =	swait.ge [sflag:s23], $0x1  }
0xa3: {  	[sflag:s23] =	ssyncset.done $0x0  }
0xa4: {  	s25 =	simm.s32 $0x1B8E;
	s24 =	sld [smem:$0x3FFE];
	[sflag:s23] =	ssyncadd.s32 $0xFFFFFFFF  }
0xa5: {  	s26 =	simm.s32 $execute0_lowered;
	[smem:$0x3FD2] =	sst s25  }
0xa6: {  	s4 =	sshll.u32 s26, $0x1;
	_ =	strace $0x80000046;
	[dreg:$0x1] =	wrdreg $0xFFFFFFFF  }
0xa7: {  	s28 =	simm.s32 $_size_execute0_lowered;
	s2 =	sadd.s32 s2, s4;
	[dreg:$0x0] =	wrdreg $0x0  }
0xa8: {  	s4 =	sshll.u32 s28, $0x1;
	[dreg:$0x2] =	wrdreg s2  }
0xa9: {  	[dreg:$0x3] =	wrdreg s4  }
0xaa: {  	[dreg:$0x4] =	wrdreg $0xC0  }
0xab: {  	_ =	task [dreg:s6], $0x5FFFF  }
0xac: {  	[dreg:$0x1] =	wrdreg $0xFFFFFFFF  }
0xad: {  	[dreg:$0x0] =	wrdreg $0x60  }
0xae: {  	[dreg:$0x2] =	wrdreg s24  }
0xaf: {  	[dreg:$0x3] =	wrdreg $0xC  }
0xb0: {  	_ =	task.clear_ibuf [dreg:s6], $0x4FFFF;
	_ =	strace $0x90000046  }
0xb1: {  	s29 =	simm.s32 $0xC;
	_ =	strace $0x80000048  }
0xb2: {  	_ =	swait.ge [sflag:s29], $0x1  }
0xb3: {  	[sflag:s29] =	ssyncadd.s32 $0xFFFFFFFF  }
0xb4: {  	_ =	strace $0x90000048  }
0xb5: {  	_ =	sfence  }
0xb6: {  	s30 =	sld [smem:$0x0];
	_ =	sdelay $0x2  }
0xb7: {  	s31 =	sshll.u32 s1, $0xD;
	s1 =	sshrl.u32 s1, $0x2  }
0xb8: {  	s3 =	sand.u32 $0x4000, s31;
	s1 =	sadd.s32 s1, s30  }
0xb9: {  	s0 =	sor.u32 s3, s0;
	s1 =	sshll.u32 s1, $0x11  }
0xba: {  	s0 =	sor.u32 s1, s0  }
0xbb: {  	s0 =	sadd.s32 $0x8F2B, s0  }
0xbc: {  	[sflag:s0] =	ssyncadd.remote.s32 $0x1  }
0xbd: {  	_ =	sfence.sel $0xFFFF  }
0xbe: {  	[dreg:$0x0] =	wrdreg $0xFFFFFFFF;
	(pc) =	sbr.abs _section_cstart, $3  }
0xbf: {  	[dreg:$0x1] =	wrdreg $0xFFFFFFFF  }
0xc0: {  	_ =	task.clear_ibuf [dreg:s6], $0x2FFFF;
	_ =	strace $0x9FFFFFFF  }
0xc1: {  	(tm) =	ssettm $0x7FFFFFFF  }
tec
execute0_lowered:
.L_overlay_start_1:
0x0: {  	(tag) =	ssettag $0x1  }
0x1: {  	v0 =	vimm.s32 $0xB80;
	vm0 =	vcmask $0x300  }
0x2: {  	s0 =	srdreg.scid;
	vm14 =	vcmask $0x704;
	v0 =	vsel vm0, $0x0, v0  }
0x3: {  	s7 =	stileid.u32;
	vm15 =	vcmask $0xB08;
	s3 =	sand.u32 $0x1, s0;
	v0 =	vsel vm14, $0x80, v0  }
0x4: {  	vm4 =	vcmask $0xF0C;
	s0 =	sor.u32 s7, s3;
	v0 =	vsel vm15, $0x100, v0  }
0x5: {  	s2 =	simm.s32 $0x1;
	vm5 =	vcmask $0x1310;
	p0 =	sne.s32 s7, $0x0;
	p1 =	seq.s32 s0, $0x0;
	v0 =	vsel vm4, $0x180, v0  }
0x6: {  	s4 =	rddreg [dreg:$0x0];
	vm6 =	vcmask $0x1714;
	s1 =	simm.s32 $0x0;
	p1 =	por !p0, !p1;
	v0 =	vsel vm5, $0x200, v0  }
0x7: {  	vm7 =	vcmask $0x1B18;
	s11 =	simm.s32 $0x4000;
	s12 =	simm.s32 $0x0;
	p1 =	por !p1, !p1;
	v0 =	vsel vm6, $0x280, v0  }
0x8: {  	vm8 =	vcmask $0x1F1C;
	s6 =	sshll.u32 s7, $0x8;
	[smem:$0x7FF] =	sst s1;
	s2 =	simm.s32 @!p1 $0x0;
	v0 =	vsel vm7, $0x300, v0  }
0x9: {  	vm9 =	vcmask $0x2320;
	s7 =	smul.u32 $0x300, s7;
	s0 =	rddreg [dreg:$0x1];
	s5 =	ssub.s32 s3, s2;
	v0 =	vsel vm8, $0x380, v0  }
0xa: {  	vm10 =	vcmask $0x2724;
	_ =	strace $0x80000047;
	s3 =	ssub.s32 $0x2, s3;
	s2 =	smul.u32 $0x3000, s5;
	v0 =	vsel vm9, $0x800, v0  }
0xb: {  	vm11 =	vcmask $0x2B28;
	s8 =	sshll.u32 s5, $0xC;
	s5 =	sshll.u32 s5, $0xD;
	s30 =	sshrl.u32 s3, $0x1;
	v0 =	vsel vm10, $0x880, v0  }
0xc: {  	vm12 =	vcmask $0x2F2C;
	s8 =	sor.u32 s6, s8;
	s6 =	sadd.s32 s6, s4;
	s5 =	sand.u32 $0x1FFFE000, s5;
	v0 =	vsel vm11, $0x900, v0  }
0xd: {  	vm13 =	vcmask $0x3330;
	v1 =	vlaneseq.u32;
	s10 =	ssub.s32 s3, s30;
	s9 =	sshrl.u32 s2, $0x3;
	s8 =	smul.u32 $0x60, s8;
	v0 =	vsel vm12, $0x980, v0  }
0xe: {  	vm14 =	vcmask $0x3734;
	s2 =	simm.s32 $0x1;
	s31 =	sadd.s32 s5, s6;
	s6 =	smax.u32 s10, $0x1;
	v2 =	vsel vm13, $0xA00, v0;
	v0 =	vmul.u32 $0x6, v1  }
0xf: {  	vm15 =	vcmask $0x3B38;
	s10 =	simm.s32 $0x3000;
	s9 =	sadd.s32 s9, s4;
	s8 =	sshrl.u32 s8, $0x3;
	v1 =	vsel vm14, $0xA80, v2  }
0x10: {  	s3 =	sadd.s32 $0x1A00, s9;
	s9 =	simm.s32 $0x8000;
	s8 =	sadd.s32 s8, s4;
	v1 =	vsel vm15, $0xB00, v1;
	v2 =	vor.u32 $0x1, v0;
	v3 =	vadd.s32 $0x2, v0  }
0x11: {  	s4 =	sadd.s32 $0x2600, s31;
	s5 =	sadd.s32 $0x6600, s8;
	s8 =	simm.s32 $0x800;
	v4 =	vadd.s32 $0x3, v0;
	v5 =	vadd.s32 $0x4, v0;
	v6 =	vadd.s32 $0x5, v0  }
.LBB2_1:
0x12: {  	v7 =	vmov s1  }
0x13: {  	[tilespmem:s1], [sflag:$0x1] =	stream.linear.gather [hbm4b:s3+s1], $0x3000, $0x38;
	v8 =	vshll.u32 v7, $0x3;
	[tilespmem:$0xA000] =	vst v63  }
0x14: {  	_ =	swait.ge [sflag:s2], $0x3000;
	v7 =	vand.u32 $0x7F, v7;
	v8 =	vand.u32 $0x400, v8  }
0x15: {  	[sflag:s2] =	ssyncset.done $0x0;
	v7 =	vor.u32 v8, v7  }
0x16: {  	[sflag:s2] =	ssyncadd.s32 $0xFFFFD000;
	v7 =	vor.u32 v1, v7  }
0x17: {  	[tilespmem:s10], [sflag:$0x1] =	stream.strided.gather [hbm4b:s4+s8], $0x1000, s9, s8, $0x38;
	[tilespmem:$0xA000] =	vst v63  }
0x18: {  	_ =	swait.ge [sflag:s2], $0x1000  }
0x19: {  	[sflag:s2] =	ssyncset.done $0x0  }
0x1a: {  	[sflag:s2] =	ssyncadd.s32 $0xFFFFF000  }
0x1b: {  	v7 =	vld.idx.msk [tilespmem:v7+s10+$0x0], $0xffff;
	_ =	sdelay $0x2  }
0x1c: {  	v8 =	vmov s7  }
0x1d: {  	v10 =	vadd.s32 $0x1, v8  }
0x1e: {  	v9 =	vadd.s32 $0x2, v8;
	v11 =	vmul.u32 $0x3, v7;
	_ =	sdelay $0x1  }
0x1f: {  	v12 =	vadd.s32 $0x1, v11  }
0x20: {  	v8 =	vld.idx.msk [tilespmem:v8+s1+$0x0], $0xffff;
	v13 =	vadd.s32 $0x2, v11  }
0x21: {  	v10 =	vld.idx.msk [tilespmem:v10+s1+$0x0], $0xffff  }
0x22: {  	v7 =	vld.idx.msk [tilespmem:v9+s1+$0x0], $0xffff  }
0x23: {  	v9 =	vld.idx.msk [tilespmem:v11+s1+$0x0], $0xffff  }
0x24: {  	v11 =	vld.idx.msk [tilespmem:v12+s1+$0x0], $0xffff  }
0x25: {  	v62 =	vadd.s32 s1, v0;
	v61 =	vld.idx.msk [tilespmem:v13+s1+$0x0], $0xffff  }
0x26: {  	v14 =	vadd.s32 s1, v2  }
0x27: {  	v15 =	vadd.s32 s1, v3  }
0x28: {  	v16 =	vadd.s32 s1, v4;
	s13 =	simm.s32 $0x1;
	v9 =	vsub.f32 v9, v8  }
0x29: {  	v18 =	vmov s13;
	v11 =	vsub.f32 v11, v10  }
0x2a: {  	v17 =	vadd.s32 s1, v5;
	v63 =	vshll.u32 v18, $0x3;
	[tilespmem:v62+s11+$0x0] =	vst.idx.msk $0xffff, v9;
	v9 =	vsub.f32 v61, v7  }
0x2b: {  	v12 =	vand.u32 $0x400, v63;
	[tilespmem:v14+s11+$0x0] =	vst.idx.msk $0xffff, v11;
	v11 =	vand.u32 $0x7F, v18  }
0x2c: {  	[tilespmem:v15+s11+$0x0] =	vst.idx.msk $0xffff, v9;
	v11 =	vor.u32 v12, v11;
	v9 =	vadd.s32 s1, v6  }
0x2d: {  	[tilespmem:v16+s11+$0x0] =	vst.idx.msk $0xffff, v8;
	v8 =	vor.u32 v1, v11;
	_ =	sdelay $0x1  }
0x2e: {  	s15 =	simm.s32 $0x2;
	s14 =	smov.u32 s7;
	s13 =	simm.s32 $0x0;
	[tilespmem:v17+s11+$0x0] =	vst.idx.msk $0xffff, v10  }
.LBB2_2:
0x2f: {  	s13 =	sadd.s32 $0x60, s13  }
0x30: {  	[tilespmem:v9+s11+$0x0] =	vst.idx.msk $0xffff, v7;
	s14 =	sadd.s32 $0x3, s14;
	s16 =	smov.u32 s15;
	s17 =	sadd.s32 $0x1, s15  }
0x31: {  	p1 =	sne.s32 s15, $0xFF;
	v7 =	vld.idx.msk [tilespmem:v8+s10+$0x0], $0xffff;
	_ =	sdelay $0x2  }
0x32: {  	v8 =	vmov s14  }
0x33: {  	v9 =	vadd.s32 $0x2, v8  }
0x34: {  	v10 =	vadd.s32 $0x1, v8  }
0x35: {  	v11 =	vmul.u32 $0x3, v7;
	_ =	sdelay $0x1  }
0x36: {  	v12 =	vadd.s32 $0x1, v11;
	v13 =	vadd.s32 $0x2, v11  }
0x37: {  	v7 =	vld.idx.msk [tilespmem:v9+s1+$0x0], $0xffff  }
0x38: {  	v10 =	vld.idx.msk [tilespmem:v10+s1+$0x0], $0xffff  }
0x39: {  	v14 =	vld.idx.msk [tilespmem:v8+s1+$0x0], $0xffff  }
0x3a: {  	v8 =	vld.idx.msk [tilespmem:v11+s1+$0x0], $0xffff  }
0x3b: {  	v9 =	vld.idx.msk [tilespmem:v12+s1+$0x0], $0xffff  }
0x3c: {  	v11 =	vld.idx.msk [tilespmem:v13+s1+$0x0], $0xffff  }
0x3d: {  	v12 =	vadd.s32 s13, v0  }
0x3e: {  	v13 =	vadd.s32 s13, v2  }
0x3f: {  	v15 =	vmov s16;
	v16 =	vadd.s32 s13, v3;
	v17 =	vadd.s32 s13, v5  }
0x40: {  	v19 =	vadd.s32 s13, v4;
	v18 =	vshll.u32 v15, $0x3;
	v8 =	vsub.f32 v8, v14  }
0x41: {  	v15 =	vand.u32 $0x7F, v15;
	v18 =	vand.u32 $0x400, v18;
	v20 =	vsub.f32 v9, v10  }
.Ltmp0:
0x42: {  	v15 =	vor.u32 v18, v15;
	v9 =	vadd.s32 s13, v6;
	v11 =	vsub.f32 v11, v7;
	[tilespmem:v12+s11+$0x0] =	vst.idx.msk $0xffff, v8;
	(pc) =	sbr.rel @p1 .LBB2_2-.Ltmp0, $4  }
0x43: {  	v8 =	vor.u32 v1, v15;
	[tilespmem:v13+s11+$0x0] =	vst.idx.msk $0xffff, v20  }
0x44: {  	[tilespmem:v16+s11+$0x0] =	vst.idx.msk $0xffff, v11  }
0x45: {  	[tilespmem:v19+s11+$0x0] =	vst.idx.msk $0xffff, v14  }
0x46: {  	s15 =	smov.u32 s17;
	[tilespmem:v17+s11+$0x0] =	vst.idx.msk $0xffff, v10  }
0x47: {  	_ =	sdelay $0x3  }
0x48: {  	[tilespmem:v9+s11+$0x0] =	vst.idx.msk $0xffff, v7  }
0x49: {  	v7 =	vld.idx.msk [tilespmem:v8+s10+$0x0], $0xffff;
	_ =	sdelay $0x1  }
0x4a: {  	s14 =	sadd.s32 $0x3, s14  }
0x4b: {  	v8 =	vmov s14  }
0x4c: {  	v62 =	vadd.s32 $0x2, v8  }
0x4d: {  	v10 =	vadd.s32 $0x1, v8;
	v7 =	vmul.u32 $0x3, v7;
	_ =	sdelay $0x1  }
0x4e: {  	v11 =	vadd.s32 $0x1, v7  }
0x4f: {  	v8 =	vld.idx.msk [tilespmem:v8+s1+$0x0], $0xffff;
	v12 =	vadd.s32 $0x2, v7  }
0x50: {  	v9 =	vld.idx.msk [tilespmem:v62+s1+$0x0], $0xffff  }
0x51: {  	v10 =	vld.idx.msk [tilespmem:v10+s1+$0x0], $0xffff  }
0x52: {  	v7 =	vld.idx.msk [tilespmem:v7+s1+$0x0], $0xffff  }
0x53: {  	s13 =	sadd.s32 $0x60, s13;
	v11 =	vld.idx.msk [tilespmem:v11+s1+$0x0], $0xffff  }
0x54: {  	v13 =	vadd.s32 s13, v0;
	v12 =	vld.idx.msk [tilespmem:v12+s1+$0x0], $0xffff  }
0x55: {  	v14 =	vadd.s32 s13, v2  }
0x56: {  	v15 =	vadd.s32 s13, v3  }
0x57: {  	v16 =	vadd.s32 s13, v4;
	v7 =	vsub.f32 v7, v8  }
0x58: {  	v17 =	vadd.s32 s13, v5;
	v11 =	vsub.f32 v11, v10  }
0x59: {  	v63 =	vadd.s32 s13, v6;
	[tilespmem:v13+s11+$0x0] =	vst.idx.msk $0xffff, v7;
	v7 =	vsub.f32 v12, v9  }
0x5a: {  	[tilespmem:v14+s11+$0x0] =	vst.idx.msk $0xffff, v11  }
0x5b: {  	[tilespmem:v15+s11+$0x0] =	vst.idx.msk $0xffff, v7  }
0x5c: {  	s12 =	sadd.s32 $0x1, s12;
	[tilespmem:v16+s11+$0x0] =	vst.idx.msk $0xffff, v8  }
0x5d: {  	p1 =	sne.s32 s12, s6;
	[tilespmem:v17+s11+$0x0] =	vst.idx.msk $0xffff, v10  }
.Ltmp1:
0x5e: {  	[tilespmem:v63+s11+$0x0] =	vst.idx.msk $0xffff, v9;
	(pc) =	sbr.rel @p1 .LBB2_1-.Ltmp1, $4  }
0x5f: {  	[hbm4b:s5+s1] =	stream.linear.scatter [tilespmem:s11], [sflag:$0x1], $0x6000, $0x38;
	[tilespmem:$0xA000] =	vst v63  }
0x60: {  	_ =	swait.ge [sflag:s2], $0x6000  }
0x61: {  	[sflag:s2] =	ssyncset.done $0x0  }
0x62: {  	[sflag:s2] =	ssyncadd.s32 $0xFFFFA000  }
0x63: {  	_ =	sfence.sel $0x180000  }
0x64: {  	[bflag:$0x0] =	sbarrier.arrive $0xFFFF  }
0x65: {  	_ =	strace $0x90000047  }
0x66: {  	s0 =	sadd.s32 @!p0 $0x100000, s0;
	[bflag:$0x2] =	sbarrier.arrive $0xFFFF  }
0x67: {  	[sflag:s0] =	ssyncadd.tile.s32 @!p0 $0x1;
	_ =	shalt  }
.Lfunc_end2:
_tile_overlayer_lowered:
.L_overlay_start_2:
0x68: {  	(tag) =	ssettag $0x2  }
0x69: {  	s0 =	rddreg [dreg:$0x0];
	s2 =	stileid.u32  }
0x6a: {  	s1 =	rddreg [dreg:$0x1];
	p0 =	sne.s32 s2, $0x0  }
0x6b: {  	s3 =	rddreg [dreg:$0x2];
	[bflag:$0x3] =	sbarrier.arrive $0xFFFF;
	s2 =	simm.s32 @!p0 $0x1C01  }
0x6c: {  	[timem:s3], [sflag:s2] =	dma.local @!p0 [hbm:s0], s1  }
0x6d: {  	s0 =	simm.s32 @!p0 $0x1  }
0x6e: {  	_ =	swait.ge @!p0 [sflag:s0], s1  }
0x6f: {  	s1 =	ssub.s32 @!p0 $0x0, s1;
	[sflag:s0] =	ssyncset.done @!p0 $0x0  }
0x70: {  	[sflag:s0] =	ssyncadd.s32 @!p0 s1  }
0x71: {  	[bflag:$0x3] =	sbarrier.arrive $0xFFFF  }
0x72: {  	_ =	shalt  }

</sc_bundles>
